<compile_context>
chip_gen: v7x
topology: tpu7x:2x2x1
jax: 0.10.2.dev20260603
libtpu: 0.0.44.dev20260713+nightly
codegen_flags: <defaults>
</compile_context>

<pallas_src>
import functools

import jax
import jax.numpy as jnp
from jax import lax
from jax.experimental import pallas as pl
from jax.experimental.pallas import tpu as pltpu
from jax.experimental.pallas import tpu_sc as plsc

N = 10000
E = 320000
H = 128
NC = 2
NS = 16
NW = NC * NS
EPW = E // NW
LANES = 16
BN = 2000
NB = N // BN
BE = E // NB
UNROLL = 5
NITER = EPW // LANES
NP = 2048
PN = NB * NP



def _ab_body(x_ref, wu_ref, a2_ref, eat_hbm, we_ref, wm_ref, ei_ref,
             p_ref, t_ref, tm_ref, ei_out,
             ea2_ref, pscr_ref, tscr_ref, sem, sem0, sem1, tmax_ref):
    i = pl.program_id(0)

    @pl.when(i == 0)
    def _():
        pltpu.make_async_copy(eat_hbm.at[:, pl.ds(0, BE)], ea2_ref.at[0],
                              sem0).start()

    @pl.when((i + 1 < NB) & ((i + 1) % 2 == 0))
    def _():
        pltpu.make_async_copy(eat_hbm.at[:, pl.ds((i + 1) * BE, BE)],
                              ea2_ref.at[0], sem0).start()

    @pl.when((i + 1 < NB) & ((i + 1) % 2 == 1))
    def _():
        pltpu.make_async_copy(eat_hbm.at[:, pl.ds((i + 1) * BE, BE)],
                              ea2_ref.at[1], sem1).start()

    u = jnp.dot(x_ref[...], wu_ref[...], preferred_element_type=jnp.float32)
    hp = jnp.where(u > 0, u, 0.01 * u)
    pscr_ref[:, pl.ds(0, BN)] = lax.dot_general(
        a2_ref[...], hp, (((0,), (1,)), ((), ())),
        preferred_element_type=jnp.float32)

    wem = jnp.dot(we_ref[...], wm_ref[...], preferred_element_type=jnp.float32)

    @pl.when(i % 2 == 0)
    def _():
        pltpu.make_async_copy(eat_hbm.at[:, pl.ds(i * BE, BE)],
                              ea2_ref.at[0], sem0).wait()
        tscr_ref[...] = lax.dot_general(wem, ea2_ref[0],
                                        (((0,), (0,)), ((), ())),
                                        preferred_element_type=jnp.float32)

    @pl.when(i % 2 == 1)
    def _():
        pltpu.make_async_copy(eat_hbm.at[:, pl.ds(i * BE, BE)],
                              ea2_ref.at[1], sem1).wait()
        tscr_ref[...] = lax.dot_general(wem, ea2_ref[1],
                                        (((0,), (0,)), ((), ())),
                                        preferred_element_type=jnp.float32)

    sT = tscr_ref[...]
    bm = jnp.max(jnp.abs(sT))

    @pl.when(i == 0)
    def _():
        tmax_ref[0, 0] = bm

    @pl.when(i > 0)
    def _():
        tmax_ref[0, 0] = jnp.maximum(tmax_ref[0, 0], bm)

    cps = [
        pltpu.make_async_copy(pscr_ref.at[0], p_ref.at[pl.ds(i * NP, NP)],
                              sem),
        pltpu.make_async_copy(pscr_ref.at[1], p_ref.at[pl.ds(PN + i * NP, NP)],
                              sem),
        pltpu.make_async_copy(tscr_ref.at[0], t_ref.at[pl.ds(i * BE, BE)],
                              sem),
        pltpu.make_async_copy(ei_ref.at[0], ei_out.at[pl.ds(i * BE, BE)], sem),
        pltpu.make_async_copy(ei_ref.at[1],
                              ei_out.at[pl.ds(E + i * BE, BE)], sem),
    ]
    for cp in cps:
        cp.start()
    for cp in cps:
        cp.wait()

    @pl.when(i == pl.num_programs(0) - 1)
    def _():
        tm_ref[...] = jnp.full((1, H), tmax_ref[0, 0], dtype=jnp.float32)


def _ab_call(x, W_u, A2, eaT, W_e, W_m, edge_index):
    d_edge = W_e.shape[0]
    return pl.pallas_call(
        _ab_body,
        grid=(NB,),
        in_specs=[
            pl.BlockSpec((BN, H), lambda i: (i, 0)),
            pl.BlockSpec((H, H), lambda i: (0, 0)),
            pl.BlockSpec((H, 2), lambda i: (0, 0)),
            pl.BlockSpec(memory_space=pltpu.MemorySpace.HBM),
            pl.BlockSpec((d_edge, H), lambda i: (0, 0)),
            pl.BlockSpec((H, 1), lambda i: (0, 0)),
            pl.BlockSpec((2, BE), lambda i: (0, i)),
        ],
        out_specs=[
            pl.BlockSpec(memory_space=pltpu.MemorySpace.HBM),
            pl.BlockSpec(memory_space=pltpu.MemorySpace.HBM),
            pl.BlockSpec((1, H), lambda i: (0, 0)),
            pl.BlockSpec(memory_space=pltpu.MemorySpace.HBM),
        ],
        out_shape=[
            jax.ShapeDtypeStruct((2 * PN,), jnp.float32),
            jax.ShapeDtypeStruct((E,), jnp.float32),
            jax.ShapeDtypeStruct((1, H), jnp.float32),
            jax.ShapeDtypeStruct((2 * E,), jnp.int32),
        ],
        scratch_shapes=[pltpu.VMEM((2, 16, BE), jnp.float32),
                        pltpu.VMEM((2, NP), jnp.float32),
                        pltpu.VMEM((1, BE), jnp.float32),
                        pltpu.SemaphoreType.DMA,
                        pltpu.SemaphoreType.DMA,
                        pltpu.SemaphoreType.DMA,
                        pltpu.SMEM((1, 1), jnp.float32)],
    )(x, W_u, A2, eaT, W_e, W_m, edge_index)



def _sc_edge_body(ei_hbm, t_hbm, p_hbm, tm_hbm, w_out,
                  src_v, dst_v, t_v, p1_v, p2_v, w_v, tm_v, sem):
    wid = lax.axis_index("s") * NC + lax.axis_index("c")
    base = wid * EPW
    cps = [
        pltpu.make_async_copy(ei_hbm.at[pl.ds(base, EPW)], src_v, sem),
        pltpu.make_async_copy(ei_hbm.at[pl.ds(E + base, EPW)], dst_v, sem),
        pltpu.make_async_copy(t_hbm.at[pl.ds(base, EPW)], t_v, sem),
        pltpu.make_async_copy(tm_hbm, tm_v, sem),
    ] + [
        pltpu.make_async_copy(p_hbm.at[pl.ds(b * NP, BN)],
                              p1_v.at[pl.ds(b * BN, BN)], sem)
        for b in range(NB)
    ] + [
        pltpu.make_async_copy(p_hbm.at[pl.ds(PN + b * NP, BN)],
                              p2_v.at[pl.ds(b * BN, BN)], sem)
        for b in range(NB)
    ]
    for cp in cps:
        cp.start()

    def bzero(i, carry):
        w_v[pl.ds(pl.multiple_of(i * LANES, LANES), LANES)] = (
            jnp.zeros((LANES,), jnp.float32))
        return carry

    lax.fori_loop(0, N // LANES, bzero, 0)
    for cp in cps:
        cp.wait()
    cc = jnp.max(tm_v[pl.ds(0, LANES)])

    def body(i, carry):
        sls, sis, scs = [], [], []
        for j in range(UNROLL):
            sl = pl.ds(pl.multiple_of((i * UNROLL + j) * LANES, LANES), LANES)
            si = src_v[sl]
            di = dst_v[sl]
            sc = plsc.load_gather(p1_v, [si]) + plsc.load_gather(p2_v, [di])
            sls.append(sl)
            sis.append(si)
            scs.append(sc)
        es = [jnp.exp(-jnp.abs(sc)) for sc in scs]
        zs = []
        for j in range(UNROLL):
            d = 1.0 + es[j]
            r = 1.4117647 - 0.4705882 * d
            r = r * (2.0 - d * r)
            r = r * (2.0 - d * r)
            sig = jnp.where(scs[j] >= 0, r, 1.0 - r)
            zs.append(sig * t_v[sls[j]] - cc)
        exs = [jnp.exp(z) for z in zs]
        for j in range(UNROLL):
            plsc.addupdate_scatter(w_v, [sis[j]], exs[j])
        return carry

    lax.fori_loop(0, NITER // UNROLL, body, 0)

    for b in range(NB):
        pltpu.sync_copy(w_v.at[pl.ds(b * BN, BN)],
                        w_out.at[b, wid, pl.ds(0, BN)])


def _sc_call(ei_flat, t, p, tm):
    mesh = plsc.VectorSubcoreMesh(core_axis_name="c", subcore_axis_name="s")
    f = functools.partial(
        pl.kernel,
        mesh=mesh,
        compiler_params=pltpu.CompilerParams(
            needs_layout_passes=False, use_tc_tiling_on_sc=False),
        out_type=jax.ShapeDtypeStruct((NB, NW, NP), jnp.float32),
        scratch_types=[
            pltpu.VMEM((EPW,), jnp.int32),
            pltpu.VMEM((EPW,), jnp.int32),
            pltpu.VMEM((EPW,), jnp.float32),
            pltpu.VMEM((N,), jnp.float32),
            pltpu.VMEM((N,), jnp.float32),
            pltpu.VMEM((N,), jnp.float32),
            pltpu.VMEM((H,), jnp.float32),
            pltpu.SemaphoreType.DMA,
        ],
    )(_sc_edge_body)
    return f(ei_flat, t, p, tm)



def _final_body(w_ref, x_ref, wu_ref, w1, b1, w2, b2, w3, b3, w4, b4,
                out_ref, wscr_ref, sem, acc_ref, accs_ref):
    i = pl.program_id(0)

    @pl.when(i == 0)
    def _init():
        acc_ref[...] = jnp.zeros_like(acc_ref)
        accs_ref[0, 0] = 0.0

    cp = pltpu.make_async_copy(w_ref.at[i], wscr_ref, sem)
    cp.start()
    u = jnp.dot(x_ref[...], wu_ref[...], preferred_element_type=jnp.float32)
    g = jnp.where(u > 0, u, 0.0001 * u)
    cp.wait()
    wblk = wscr_ref[:, pl.ds(0, BN)]
    cw = jnp.sum(wblk, axis=0, keepdims=True)
    acc_ref[...] += jnp.dot(cw, g, preferred_element_type=jnp.float32)
    accs_ref[0, 0] += jnp.sum(cw)

    @pl.when(i == pl.num_programs(0) - 1)
    def _finish():
        hg = acc_ref[...] / accs_ref[0, 0]
        o = jnp.dot(hg, w1[...], preferred_element_type=jnp.float32) + b1[...]
        o = jnp.maximum(o, 0.0)
        o = jnp.dot(o, w2[...], preferred_element_type=jnp.float32) + b2[...]
        o = jnp.maximum(o, 0.0)
        o = jnp.dot(o, w3[...], preferred_element_type=jnp.float32) + b3[...]
        o = jnp.maximum(o, 0.0)
        out_ref[...] = (jnp.dot(o, w4[...], preferred_element_type=jnp.float32)
                        + b4[...])


def _final_call(w3d, x, W_u, W1, b1, W2, b2, W3, b3, W4, b4):
    full = lambda i: (0, 0)
    return pl.pallas_call(
        _final_body,
        grid=(NB,),
        in_specs=[
            pl.BlockSpec(memory_space=pltpu.MemorySpace.HBM),
            pl.BlockSpec((BN, H), lambda i: (i, 0)),
            pl.BlockSpec((H, H), full),
            pl.BlockSpec(W1.shape, full),
            pl.BlockSpec(b1.shape, full),
            pl.BlockSpec(W2.shape, full),
            pl.BlockSpec(b2.shape, full),
            pl.BlockSpec(W3.shape, full),
            pl.BlockSpec(b3.shape, full),
            pl.BlockSpec(W4.shape, full),
            pl.BlockSpec(b4.shape, full),
        ],
        out_specs=pl.BlockSpec((1, 1), full),
        out_shape=jax.ShapeDtypeStruct((1, 1), jnp.float32),
        scratch_shapes=[
            pltpu.VMEM((NW, NP), jnp.float32),
            pltpu.SemaphoreType.DMA,
            pltpu.VMEM((1, H), jnp.float32),
            pltpu.SMEM((1, 1), jnp.float32),
        ],
    )(w3d, x, W_u, W1, b1, W2, b2, W3, b3, W4, b4)



def kernel(x, edge_index, edge_attr, W_u, a, W_e, W_m,
           W1, b1, W2, b2, W3, b3, W4, b4):
    A2 = jnp.concatenate([a[:H], a[H:]], axis=1)

    p, t, tm, ei = _ab_call(x, W_u, A2, edge_attr.T, W_e, W_m, edge_index)

    w3d = _sc_call(ei, t, p, tm.reshape(H))

    return _final_call(w3d, x, W_u,
                       W1, b1.reshape(1, -1), W2, b2.reshape(1, -1),
                       W3, b3.reshape(1, -1), W4, b4.reshape(1, -1))

# --- scband reference (transcript-rebuilt; emitter-appended) ---
"""Pipeline reference for scband-dnnperf-88510686036316 (READ-ONLY COPY).

The authoritative reference and input builder live on the scoring server;
editing this copy changes nothing except your own understanding.
"""

import jax, jax.numpy as jnp
import numpy as np

N = 10000
E = 320000
D_NODE = 128
H_NODE = 128
D_EDGE = 16
H_EDGE = 128

def _leaky_relu(x, alpha=0.01):
    return jnp.where(x > 0, x, alpha * x)

def setup_inputs(seed: int = 0) -> dict:
    key = jax.random.key(seed)
    ks = jax.random.split(key, 16)
    x = jax.random.normal(ks[0], (N, D_NODE), dtype=jnp.float32)
    edge_index = jax.random.randint(ks[1], (2, E), 0, N, dtype=jnp.int64 if jax.config.jax_enable_x64 else jnp.int32).astype(jnp.int32)
    edge_attr = jax.random.normal(ks[2], (E, D_EDGE), dtype=jnp.float32)
    # parameters (torch Linear without bias -> store as [in, out])
    W_u = jax.random.normal(ks[3], (D_NODE, H_NODE), dtype=jnp.float32) * (1.0 / np.sqrt(D_NODE))
    a = jax.random.normal(ks[4], (2 * H_NODE, 1), dtype=jnp.float32) * (1.0 / np.sqrt(2 * H_NODE))
    W_e = jax.random.normal(ks[5], (D_EDGE, H_EDGE), dtype=jnp.float32) * (1.0 / np.sqrt(D_EDGE))
    W_m = jax.random.normal(ks[6], (H_EDGE, 1), dtype=jnp.float32) * (1.0 / np.sqrt(H_EDGE))
    # global aggregation MLP: H_NODE -> 512 -> 128 -> 16 -> 1
    W1 = jax.random.normal(ks[7], (H_NODE, 512), dtype=jnp.float32) * (1.0 / np.sqrt(H_NODE))
    b1 = jnp.zeros((512,), dtype=jnp.float32)
    W2 = jax.random.normal(ks[8], (512, 128), dtype=jnp.float32) * (1.0 / np.sqrt(512))
    b2 = jnp.zeros((128,), dtype=jnp.float32)
    W3 = jax.random.normal(ks[9], (128, 16), dtype=jnp.float32) * (1.0 / np.sqrt(128))
    b3 = jnp.zeros((16,), dtype=jnp.float32)
    W4 = jax.random.normal(ks[10], (16, 1), dtype=jnp.float32) * (1.0 / np.sqrt(16))
    b4 = jnp.zeros((1,), dtype=jnp.float32)
    return {"x": x, "edge_index": edge_index, "edge_attr": edge_attr,
            "W_u": W_u, "a": a, "W_e": W_e, "W_m": W_m,
            "W1": W1, "b1": b1, "W2": W2, "b2": b2,
            "W3": W3, "b3": b3, "W4": W4, "b4": b4}

def reference(x, edge_index, edge_attr, W_u, a, W_e, W_m, W1, b1, W2, b2, W3, b3, W4, b4):
    src = edge_index[0]
    dst = edge_index[1]
    # ANEENodeUpdate: h_prime = leaky_relu(W_u h)
    h_prime = _leaky_relu(x @ W_u)
    # ANEEEdgeUpdate per edge
    h_s = jnp.take(h_prime, src, axis=0)
    h_d = jnp.take(h_prime, dst, axis=0)
    combined = jnp.concatenate([h_s, h_d], axis=-1)
    score = combined @ a                      # [E, 1]
    edge_e = jax.nn.sigmoid(score) * (edge_attr @ W_e)   # [E, H_EDGE]
    # ANEENodeFinalUpdate: softmax over edges (dim=0), scale src features
    sm = jax.nn.softmax(edge_e @ W_m, axis=0)            # [E, 1]
    h_new_e = _leaky_relu(sm * h_s)                      # [E, H_NODE]
    # message reduce: fn.sum('h_new','h_new') -> scatter-add to dst
    h_new = jax.ops.segment_sum(h_new_e, dst, num_segments=N)
    # global aggregation: dgl.sum_nodes -> [1, H_NODE], then MLP
    hg = jnp.sum(h_new, axis=0, keepdims=True)
    out = jax.nn.relu(hg @ W1 + b1)
    out = jax.nn.relu(out @ W2 + b2)
    out = jax.nn.relu(out @ W3 + b3)
    out = out @ W4 + b4
    return out

if __name__ == "__main__":
    import jax
    _d = setup_inputs()
    print(jax.jit(kernel)(*tuple(_d.values())))

</pallas_src>

<mosaic_0001>
#map = affine_map<(d0, d1) -> (0)>
#map1 = affine_map<(d0, d1) -> (0, 0, 0)>
module attributes {stable_mosaic.version = 14 : i64} {
  func.func @_sc_edge_body(%arg0: i32, %arg1: i32, %arg2: memref<640000xi32, #tpu.memory_space<hbm>>, %arg3: memref<320000xf32, #tpu.memory_space<hbm>>, %arg4: memref<20480xf32, #tpu.memory_space<hbm>>, %arg5: memref<128xf32, #tpu.memory_space<hbm>>, %arg6: memref<5x32x2048xf32, #tpu.memory_space<hbm>>, %arg7: memref<10000xi32, #tpu.memory_space<vmem>>, %arg8: memref<10000xi32, #tpu.memory_space<vmem>>, %arg9: memref<10000xf32, #tpu.memory_space<vmem>>, %arg10: memref<10000xf32, #tpu.memory_space<vmem>>, %arg11: memref<10000xf32, #tpu.memory_space<vmem>>, %arg12: memref<10000xf32, #tpu.memory_space<vmem>>, %arg13: memref<128xf32, #tpu.memory_space<vmem>>, %arg14: memref<!tpu.dma_semaphore, #tpu.memory_space<semaphore_mem>>) attributes {dimension_semantics = [#tpu.dimension_semantics<core_parallel>, #tpu.dimension_semantics<subcore_parallel>], iteration_bounds = array<i64: 2, 16>, scalar_prefetch = 0 : i64, scratch_operands = 8 : i64, tpu.core_type = #tpu.core_type<sc_vector_subcore>, window_params = [{transform_indices = #map}, {transform_indices = #map}, {transform_indices = #map}, {transform_indices = #map}, {transform_indices = #map1}]} {
    %mul3A = arith.constant 2 : i32
    %mul3A_0 = arith.muli %arg1, %mul3A : i32
    %add3A = arith.addi %mul3A_0, %arg0 : i32
    %mul3A_1 = arith.constant 10000 : i32
    %mul3A_2 = arith.muli %add3A, %mul3A_1 : i32
    %add3A_3 = arith.constant 320000 : i32
    %add3A_4 = arith.addi %add3A_3, %mul3A_2 : i32
    %dma_start3A = tpu.memref_slice %arg2[%mul3A_2] : memref<640000xi32, #tpu.memory_space<hbm>> -> memref<10000xi32, #tpu.memory_space<hbm>>
    %dma_start3A_5 = tpu.memref_slice %arg2[%mul3A_2] : memref<640000xi32, #tpu.memory_space<hbm>> -> memref<10000xi32, #tpu.memory_space<hbm>>
    tpu.enqueue_dma source(%dma_start3A_5 : memref<10000xi32, #tpu.memory_space<hbm>>) target(%arg7 : memref<10000xi32, #tpu.memory_space<vmem>>) target_semaphore(%arg14 : memref<!tpu.dma_semaphore, #tpu.memory_space<semaphore_mem>>)
    %dma_start3A_6 = tpu.memref_slice %arg2[%add3A_4] : memref<640000xi32, #tpu.memory_space<hbm>> -> memref<10000xi32, #tpu.memory_space<hbm>>
    %dma_start3A_7 = tpu.memref_slice %arg2[%add3A_4] : memref<640000xi32, #tpu.memory_space<hbm>> -> memref<10000xi32, #tpu.memory_space<hbm>>
    tpu.enqueue_dma source(%dma_start3A_7 : memref<10000xi32, #tpu.memory_space<hbm>>) target(%arg8 : memref<10000xi32, #tpu.memory_space<vmem>>) target_semaphore(%arg14 : memref<!tpu.dma_semaphore, #tpu.memory_space<semaphore_mem>>)
    %dma_start3A_8 = tpu.memref_slice %arg3[%mul3A_2] : memref<320000xf32, #tpu.memory_space<hbm>> -> memref<10000xf32, #tpu.memory_space<hbm>>
    %dma_start3A_9 = tpu.memref_slice %arg3[%mul3A_2] : memref<320000xf32, #tpu.memory_space<hbm>> -> memref<10000xf32, #tpu.memory_space<hbm>>
    tpu.enqueue_dma source(%dma_start3A_9 : memref<10000xf32, #tpu.memory_space<hbm>>) target(%arg9 : memref<10000xf32, #tpu.memory_space<vmem>>) target_semaphore(%arg14 : memref<!tpu.dma_semaphore, #tpu.memory_space<semaphore_mem>>)
    tpu.enqueue_dma source(%arg5 : memref<128xf32, #tpu.memory_space<hbm>>) target(%arg13 : memref<128xf32, #tpu.memory_space<vmem>>) target_semaphore(%arg14 : memref<!tpu.dma_semaphore, #tpu.memory_space<semaphore_mem>>)
    %dma_start3A_10 = arith.constant 0 : i32
    %dma_start3A_11 = tpu.memref_slice %arg10[%dma_start3A_10] : memref<10000xf32, #tpu.memory_space<vmem>> -> memref<2000xf32, #tpu.memory_space<vmem>>
    %dma_start3A_12 = arith.constant 0 : i32
    %dma_start3A_13 = tpu.memref_slice %arg4[%dma_start3A_12] : memref<20480xf32, #tpu.memory_space<hbm>> -> memref<2000xf32, #tpu.memory_space<hbm>>
    %dma_start3A_14 = arith.constant 0 : i32
    %dma_start3A_15 = tpu.memref_slice %arg10[%dma_start3A_14] : memref<10000xf32, #tpu.memory_space<vmem>> -> memref<2000xf32, #tpu.memory_space<vmem>>
    %dma_start3A_16 = arith.constant 0 : i32
    %dma_start3A_17 = tpu.memref_slice %arg4[%dma_start3A_16] : memref<20480xf32, #tpu.memory_space<hbm>> -> memref<2000xf32, #tpu.memory_space<hbm>>
    tpu.enqueue_dma source(%dma_start3A_17 : memref<2000xf32, #tpu.memory_space<hbm>>) target(%dma_start3A_15 : memref<2000xf32, #tpu.memory_space<vmem>>) target_semaphore(%arg14 : memref<!tpu.dma_semaphore, #tpu.memory_space<semaphore_mem>>)
    %dma_start3A_18 = arith.constant 2000 : i32
    %dma_start3A_19 = tpu.memref_slice %arg10[%dma_start3A_18] : memref<10000xf32, #tpu.memory_space<vmem>> -> memref<2000xf32, #tpu.memory_space<vmem>>
    %dma_start3A_20 = arith.constant 2048 : i32
    %dma_start3A_21 = tpu.memref_slice %arg4[%dma_start3A_20] : memref<20480xf32, #tpu.memory_space<hbm>> -> memref<2000xf32, #tpu.memory_space<hbm>>
    %dma_start3A_22 = arith.constant 2000 : i32
    %dma_start3A_23 = tpu.memref_slice %arg10[%dma_start3A_22] : memref<10000xf32, #tpu.memory_space<vmem>> -> memref<2000xf32, #tpu.memory_space<vmem>>
    %dma_start3A_24 = arith.constant 2048 : i32
    %dma_start3A_25 = tpu.memref_slice %arg4[%dma_start3A_24] : memref<20480xf32, #tpu.memory_space<hbm>> -> memref<2000xf32, #tpu.memory_space<hbm>>
    tpu.enqueue_dma source(%dma_start3A_25 : memref<2000xf32, #tpu.memory_space<hbm>>) target(%dma_start3A_23 : memref<2000xf32, #tpu.memory_space<vmem>>) target_semaphore(%arg14 : memref<!tpu.dma_semaphore, #tpu.memory_space<semaphore_mem>>)
    %dma_start3A_26 = arith.constant 4000 : i32
    %dma_start3A_27 = tpu.memref_slice %arg10[%dma_start3A_26] : memref<10000xf32, #tpu.memory_space<vmem>> -> memref<2000xf32, #tpu.memory_space<vmem>>
    %dma_start3A_28 = arith.constant 4096 : i32
    %dma_start3A_29 = tpu.memref_slice %arg4[%dma_start3A_28] : memref<20480xf32, #tpu.memory_space<hbm>> -> memref<2000xf32, #tpu.memory_space<hbm>>
    %dma_start3A_30 = arith.constant 4000 : i32
    %dma_start3A_31 = tpu.memref_slice %arg10[%dma_start3A_30] : memref<10000xf32, #tpu.memory_space<vmem>> -> memref<2000xf32, #tpu.memory_space<vmem>>
    %dma_start3A_32 = arith.constant 4096 : i32
    %dma_start3A_33 = tpu.memref_slice %arg4[%dma_start3A_32] : memref<20480xf32, #tpu.memory_space<hbm>> -> memref<2000xf32, #tpu.memory_space<hbm>>
    tpu.enqueue_dma source(%dma_start3A_33 : memref<2000xf32, #tpu.memory_space<hbm>>) target(%dma_start3A_31 : memref<2000xf32, #tpu.memory_space<vmem>>) target_semaphore(%arg14 : memref<!tpu.dma_semaphore, #tpu.memory_space<semaphore_mem>>)
    %dma_start3A_34 = arith.constant 6000 : i32
    %dma_start3A_35 = tpu.memref_slice %arg10[%dma_start3A_34] : memref<10000xf32, #tpu.memory_space<vmem>> -> memref<2000xf32, #tpu.memory_space<vmem>>
    %dma_start3A_36 = arith.constant 6144 : i32
    %dma_start3A_37 = tpu.memref_slice %arg4[%dma_start3A_36] : memref<20480xf32, #tpu.memory_space<hbm>> -> memref<2000xf32, #tpu.memory_space<hbm>>
    %dma_start3A_38 = arith.constant 6000 : i32
    %dma_start3A_39 = tpu.memref_slice %arg10[%dma_start3A_38] : memref<10000xf32, #tpu.memory_space<vmem>> -> memref<2000xf32, #tpu.memory_space<vmem>>
    %dma_start3A_40 = arith.constant 6144 : i32
    %dma_start3A_41 = tpu.memref_slice %arg4[%dma_start3A_40] : memref<20480xf32, #tpu.memory_space<hbm>> -> memref<2000xf32, #tpu.memory_space<hbm>>
    tpu.enqueue_dma source(%dma_start3A_41 : memref<2000xf32, #tpu.memory_space<hbm>>) target(%dma_start3A_39 : memref<2000xf32, #tpu.memory_space<vmem>>) target_semaphore(%arg14 : memref<!tpu.dma_semaphore, #tpu.memory_space<semaphore_mem>>)
    %dma_start3A_42 = arith.constant 8000 : i32
    %dma_start3A_43 = tpu.memref_slice %arg10[%dma_start3A_42] : memref<10000xf32, #tpu.memory_space<vmem>> -> memref<2000xf32, #tpu.memory_space<vmem>>
    %dma_start3A_44 = arith.constant 8192 : i32
    %dma_start3A_45 = tpu.memref_slice %arg4[%dma_start3A_44] : memref<20480xf32, #tpu.memory_space<hbm>> -> memref<2000xf32, #tpu.memory_space<hbm>>
    %dma_start3A_46 = arith.constant 8000 : i32
    %dma_start3A_47 = tpu.memref_slice %arg10[%dma_start3A_46] : memref<10000xf32, #tpu.memory_space<vmem>> -> memref<2000xf32, #tpu.memory_space<vmem>>
    %dma_start3A_48 = arith.constant 8192 : i32
    %dma_start3A_49 = tpu.memref_slice %arg4[%dma_start3A_48] : memref<20480xf32, #tpu.memory_space<hbm>> -> memref<2000xf32, #tpu.memory_space<hbm>>
    tpu.enqueue_dma source(%dma_start3A_49 : memref<2000xf32, #tpu.memory_space<hbm>>) target(%dma_start3A_47 : memref<2000xf32, #tpu.memory_space<vmem>>) target_semaphore(%arg14 : memref<!tpu.dma_semaphore, #tpu.memory_space<semaphore_mem>>)
    %dma_start3A_50 = arith.constant 0 : i32
    %dma_start3A_51 = tpu.memref_slice %arg11[%dma_start3A_50] : memref<10000xf32, #tpu.memory_space<vmem>> -> memref<2000xf32, #tpu.memory_space<vmem>>
    %dma_start3A_52 = arith.constant 10240 : i32
    %dma_start3A_53 = tpu.memref_slice %arg4[%dma_start3A_52] : memref<20480xf32, #tpu.memory_space<hbm>> -> memref<2000xf32, #tpu.memory_space<hbm>>
    %dma_start3A_54 = arith.constant 0 : i32
    %dma_start3A_55 = tpu.memref_slice %arg11[%dma_start3A_54] : memref<10000xf32, #tpu.memory_space<vmem>> -> memref<2000xf32, #tpu.memory_space<vmem>>
    %dma_start3A_56 = arith.constant 10240 : i32
    %dma_start3A_57 = tpu.memref_slice %arg4[%dma_start3A_56] : memref<20480xf32, #tpu.memory_space<hbm>> -> memref<2000xf32, #tpu.memory_space<hbm>>
    tpu.enqueue_dma source(%dma_start3A_57 : memref<2000xf32, #tpu.memory_space<hbm>>) target(%dma_start3A_55 : memref<2000xf32, #tpu.memory_space<vmem>>) target_semaphore(%arg14 : memref<!tpu.dma_semaphore, #tpu.memory_space<semaphore_mem>>)
    %dma_start3A_58 = arith.constant 2000 : i32
    %dma_start3A_59 = tpu.memref_slice %arg11[%dma_start3A_58] : memref<10000xf32, #tpu.memory_space<vmem>> -> memref<2000xf32, #tpu.memory_space<vmem>>
    %dma_start3A_60 = arith.constant 12288 : i32
    %dma_start3A_61 = tpu.memref_slice %arg4[%dma_start3A_60] : memref<20480xf32, #tpu.memory_space<hbm>> -> memref<2000xf32, #tpu.memory_space<hbm>>
    %dma_start3A_62 = arith.constant 2000 : i32
    %dma_start3A_63 = tpu.memref_slice %arg11[%dma_start3A_62] : memref<10000xf32, #tpu.memory_space<vmem>> -> memref<2000xf32, #tpu.memory_space<vmem>>
    %dma_start3A_64 = arith.constant 12288 : i32
    %dma_start3A_65 = tpu.memref_slice %arg4[%dma_start3A_64] : memref<20480xf32, #tpu.memory_space<hbm>> -> memref<2000xf32, #tpu.memory_space<hbm>>
    tpu.enqueue_dma source(%dma_start3A_65 : memref<2000xf32, #tpu.memory_space<hbm>>) target(%dma_start3A_63 : memref<2000xf32, #tpu.memory_space<vmem>>) target_semaphore(%arg14 : memref<!tpu.dma_semaphore, #tpu.memory_space<semaphore_mem>>)
    %dma_start3A_66 = arith.constant 4000 : i32
    %dma_start3A_67 = tpu.memref_slice %arg11[%dma_start3A_66] : memref<10000xf32, #tpu.memory_space<vmem>> -> memref<2000xf32, #tpu.memory_space<vmem>>
    %dma_start3A_68 = arith.constant 14336 : i32
    %dma_start3A_69 = tpu.memref_slice %arg4[%dma_start3A_68] : memref<20480xf32, #tpu.memory_space<hbm>> -> memref<2000xf32, #tpu.memory_space<hbm>>
    %dma_start3A_70 = arith.constant 4000 : i32
    %dma_start3A_71 = tpu.memref_slice %arg11[%dma_start3A_70] : memref<10000xf32, #tpu.memory_space<vmem>> -> memref<2000xf32, #tpu.memory_space<vmem>>
    %dma_start3A_72 = arith.constant 14336 : i32
    %dma_start3A_73 = tpu.memref_slice %arg4[%dma_start3A_72] : memref<20480xf32, #tpu.memory_space<hbm>> -> memref<2000xf32, #tpu.memory_space<hbm>>
    tpu.enqueue_dma source(%dma_start3A_73 : memref<2000xf32, #tpu.memory_space<hbm>>) target(%dma_start3A_71 : memref<2000xf32, #tpu.memory_space<vmem>>) target_semaphore(%arg14 : memref<!tpu.dma_semaphore, #tpu.memory_space<semaphore_mem>>)
    %dma_start3A_74 = arith.constant 6000 : i32
    %dma_start3A_75 = tpu.memref_slice %arg11[%dma_start3A_74] : memref<10000xf32, #tpu.memory_space<vmem>> -> memref<2000xf32, #tpu.memory_space<vmem>>
    %dma_start3A_76 = arith.constant 16384 : i32
    %dma_start3A_77 = tpu.memref_slice %arg4[%dma_start3A_76] : memref<20480xf32, #tpu.memory_space<hbm>> -> memref<2000xf32, #tpu.memory_space<hbm>>
    %dma_start3A_78 = arith.constant 6000 : i32
    %dma_start3A_79 = tpu.memref_slice %arg11[%dma_start3A_78] : memref<10000xf32, #tpu.memory_space<vmem>> -> memref<2000xf32, #tpu.memory_space<vmem>>
    %dma_start3A_80 = arith.constant 16384 : i32
    %dma_start3A_81 = tpu.memref_slice %arg4[%dma_start3A_80] : memref<20480xf32, #tpu.memory_space<hbm>> -> memref<2000xf32, #tpu.memory_space<hbm>>
    tpu.enqueue_dma source(%dma_start3A_81 : memref<2000xf32, #tpu.memory_space<hbm>>) target(%dma_start3A_79 : memref<2000xf32, #tpu.memory_space<vmem>>) target_semaphore(%arg14 : memref<!tpu.dma_semaphore, #tpu.memory_space<semaphore_mem>>)
    %dma_start3A_82 = arith.constant 8000 : i32
    %dma_start3A_83 = tpu.memref_slice %arg11[%dma_start3A_82] : memref<10000xf32, #tpu.memory_space<vmem>> -> memref<2000xf32, #tpu.memory_space<vmem>>
    %dma_start3A_84 = arith.constant 18432 : i32
    %dma_start3A_85 = tpu.memref_slice %arg4[%dma_start3A_84] : memref<20480xf32, #tpu.memory_space<hbm>> -> memref<2000xf32, #tpu.memory_space<hbm>>
    %dma_start3A_86 = arith.constant 8000 : i32
    %dma_start3A_87 = tpu.memref_slice %arg11[%dma_start3A_86] : memref<10000xf32, #tpu.memory_space<vmem>> -> memref<2000xf32, #tpu.memory_space<vmem>>
    %dma_start3A_88 = arith.constant 18432 : i32
    %dma_start3A_89 = tpu.memref_slice %arg4[%dma_start3A_88] : memref<20480xf32, #tpu.memory_space<hbm>> -> memref<2000xf32, #tpu.memory_space<hbm>>
    tpu.enqueue_dma source(%dma_start3A_89 : memref<2000xf32, #tpu.memory_space<hbm>>) target(%dma_start3A_87 : memref<2000xf32, #tpu.memory_space<vmem>>) target_semaphore(%arg14 : memref<!tpu.dma_semaphore, #tpu.memory_space<semaphore_mem>>)
    %scan3A = arith.constant 0 : i32
    %scan3A_90 = arith.constant 0 : i32
    %scan3A_91 = arith.constant 625 : i32
    %scan3A_92 = arith.addi %scan3A_90, %scan3A_91 : i32
    %scan3A_93 = arith.constant 1 : i32
    scf.for %scan3A_194 = %scan3A_90 to %scan3A_92 step %scan3A_93  : i32 {
      %broadcast_in_dim3A = arith.constant 0.000000e+00 : f32
      %broadcast_in_dim3A_195 = vector.broadcast %broadcast_in_dim3A : f32 to vector<16xf32>
      %mul3A_196 = arith.constant 16 : i32
      %mul3A_197 = arith.muli %scan3A_194, %mul3A_196 : i32
      %multiple_of3A = tpu.assume_multiple %mul3A_197, 16 : i32
      %swap3A = arith.index_cast %multiple_of3A : i32 to index
      %swap3A_198 = tpu.vector_load %arg12[%swap3A] {strides = array<i32>} : memref<10000xf32, #tpu.memory_space<vmem>>, vector<16xf32>,
      tpu.vector_store %arg12[%swap3A], %broadcast_in_dim3A_195 {strides = array<i32>} : memref<10000xf32, #tpu.memory_space<vmem>>, vector<16xf32>,
    }
    %scan3A_94 = arith.constant 625 : i32
    %dma_wait3A = tpu.memref_slice %arg2[%mul3A_2] : memref<640000xi32, #tpu.memory_space<hbm>> -> memref<10000xi32, #tpu.memory_space<hbm>>
    %dma_wait3A_95 = tpu.memref_slice %arg2[%mul3A_2] : memref<640000xi32, #tpu.memory_space<hbm>> -> memref<10000xi32, #tpu.memory_space<hbm>>
    tpu.wait_dma2 semaphore(%arg14 : memref<!tpu.dma_semaphore, #tpu.memory_space<semaphore_mem>>) src(%dma_wait3A_95 : memref<10000xi32, #tpu.memory_space<hbm>>) dst(%arg7 : memref<10000xi32, #tpu.memory_space<vmem>>)
    %dma_wait3A_96 = tpu.memref_slice %arg2[%add3A_4] : memref<640000xi32, #tpu.memory_space<hbm>> -> memref<10000xi32, #tpu.memory_space<hbm>>
    %dma_wait3A_97 = tpu.memref_slice %arg2[%add3A_4] : memref<640000xi32, #tpu.memory_space<hbm>> -> memref<10000xi32, #tpu.memory_space<hbm>>
    tpu.wait_dma2 semaphore(%arg14 : memref<!tpu.dma_semaphore, #tpu.memory_space<semaphore_mem>>) src(%dma_wait3A_97 : memref<10000xi32, #tpu.memory_space<hbm>>) dst(%arg8 : memref<10000xi32, #tpu.memory_space<vmem>>)
    %dma_wait3A_98 = tpu.memref_slice %arg3[%mul3A_2] : memref<320000xf32, #tpu.memory_space<hbm>> -> memref<10000xf32, #tpu.memory_space<hbm>>
    %dma_wait3A_99 = tpu.memref_slice %arg3[%mul3A_2] : memref<320000xf32, #tpu.memory_space<hbm>> -> memref<10000xf32, #tpu.memory_space<hbm>>
    tpu.wait_dma2 semaphore(%arg14 : memref<!tpu.dma_semaphore, #tpu.memory_space<semaphore_mem>>) src(%dma_wait3A_99 : memref<10000xf32, #tpu.memory_space<hbm>>) dst(%arg9 : memref<10000xf32, #tpu.memory_space<vmem>>)
    tpu.wait_dma2 semaphore(%arg14 : memref<!tpu.dma_semaphore, #tpu.memory_space<semaphore_mem>>) src(%arg5 : memref<128xf32, #tpu.memory_space<hbm>>) dst(%arg13 : memref<128xf32, #tpu.memory_space<vmem>>)
    %dma_wait3A_100 = arith.constant 0 : i32
    %dma_wait3A_101 = tpu.memref_slice %arg10[%dma_wait3A_100] : memref<10000xf32, #tpu.memory_space<vmem>> -> memref<2000xf32, #tpu.memory_space<vmem>>
    %dma_wait3A_102 = arith.constant 0 : i32
    %dma_wait3A_103 = tpu.memref_slice %arg4[%dma_wait3A_102] : memref<20480xf32, #tpu.memory_space<hbm>> -> memref<2000xf32, #tpu.memory_space<hbm>>
    %dma_wait3A_104 = arith.constant 0 : i32
    %dma_wait3A_105 = tpu.memref_slice %arg10[%dma_wait3A_104] : memref<10000xf32, #tpu.memory_space<vmem>> -> memref<2000xf32, #tpu.memory_space<vmem>>
    %dma_wait3A_106 = arith.constant 0 : i32
    %dma_wait3A_107 = tpu.memref_slice %arg4[%dma_wait3A_106] : memref<20480xf32, #tpu.memory_space<hbm>> -> memref<2000xf32, #tpu.memory_space<hbm>>
    tpu.wait_dma2 semaphore(%arg14 : memref<!tpu.dma_semaphore, #tpu.memory_space<semaphore_mem>>) src(%dma_wait3A_107 : memref<2000xf32, #tpu.memory_space<hbm>>) dst(%dma_wait3A_105 : memref<2000xf32, #tpu.memory_space<vmem>>)
    %dma_wait3A_108 = arith.constant 2000 : i32
    %dma_wait3A_109 = tpu.memref_slice %arg10[%dma_wait3A_108] : memref<10000xf32, #tpu.memory_space<vmem>> -> memref<2000xf32, #tpu.memory_space<vmem>>
    %dma_wait3A_110 = arith.constant 2048 : i32
    %dma_wait3A_111 = tpu.memref_slice %arg4[%dma_wait3A_110] : memref<20480xf32, #tpu.memory_space<hbm>> -> memref<2000xf32, #tpu.memory_space<hbm>>
    %dma_wait3A_112 = arith.constant 2000 : i32
    %dma_wait3A_113 = tpu.memref_slice %arg10[%dma_wait3A_112] : memref<10000xf32, #tpu.memory_space<vmem>> -> memref<2000xf32, #tpu.memory_space<vmem>>
    %dma_wait3A_114 = arith.constant 2048 : i32
    %dma_wait3A_115 = tpu.memref_slice %arg4[%dma_wait3A_114] : memref<20480xf32, #tpu.memory_space<hbm>> -> memref<2000xf32, #tpu.memory_space<hbm>>
    tpu.wait_dma2 semaphore(%arg14 : memref<!tpu.dma_semaphore, #tpu.memory_space<semaphore_mem>>) src(%dma_wait3A_115 : memref<2000xf32, #tpu.memory_space<hbm>>) dst(%dma_wait3A_113 : memref<2000xf32, #tpu.memory_space<vmem>>)
    %dma_wait3A_116 = arith.constant 4000 : i32
    %dma_wait3A_117 = tpu.memref_slice %arg10[%dma_wait3A_116] : memref<10000xf32, #tpu.memory_space<vmem>> -> memref<2000xf32, #tpu.memory_space<vmem>>
    %dma_wait3A_118 = arith.constant 4096 : i32
    %dma_wait3A_119 = tpu.memref_slice %arg4[%dma_wait3A_118] : memref<20480xf32, #tpu.memory_space<hbm>> -> memref<2000xf32, #tpu.memory_space<hbm>>
    %dma_wait3A_120 = arith.constant 4000 : i32
    %dma_wait3A_121 = tpu.memref_slice %arg10[%dma_wait3A_120] : memref<10000xf32, #tpu.memory_space<vmem>> -> memref<2000xf32, #tpu.memory_space<vmem>>
    %dma_wait3A_122 = arith.constant 4096 : i32
    %dma_wait3A_123 = tpu.memref_slice %arg4[%dma_wait3A_122] : memref<20480xf32, #tpu.memory_space<hbm>> -> memref<2000xf32, #tpu.memory_space<hbm>>
    tpu.wait_dma2 semaphore(%arg14 : memref<!tpu.dma_semaphore, #tpu.memory_space<semaphore_mem>>) src(%dma_wait3A_123 : memref<2000xf32, #tpu.memory_space<hbm>>) dst(%dma_wait3A_121 : memref<2000xf32, #tpu.memory_space<vmem>>)
    %dma_wait3A_124 = arith.constant 6000 : i32
    %dma_wait3A_125 = tpu.memref_slice %arg10[%dma_wait3A_124] : memref<10000xf32, #tpu.memory_space<vmem>> -> memref<2000xf32, #tpu.memory_space<vmem>>
    %dma_wait3A_126 = arith.constant 6144 : i32
    %dma_wait3A_127 = tpu.memref_slice %arg4[%dma_wait3A_126] : memref<20480xf32, #tpu.memory_space<hbm>> -> memref<2000xf32, #tpu.memory_space<hbm>>
    %dma_wait3A_128 = arith.constant 6000 : i32
    %dma_wait3A_129 = tpu.memref_slice %arg10[%dma_wait3A_128] : memref<10000xf32, #tpu.memory_space<vmem>> -> memref<2000xf32, #tpu.memory_space<vmem>>
    %dma_wait3A_130 = arith.constant 6144 : i32
    %dma_wait3A_131 = tpu.memref_slice %arg4[%dma_wait3A_130] : memref<20480xf32, #tpu.memory_space<hbm>> -> memref<2000xf32, #tpu.memory_space<hbm>>
    tpu.wait_dma2 semaphore(%arg14 : memref<!tpu.dma_semaphore, #tpu.memory_space<semaphore_mem>>) src(%dma_wait3A_131 : memref<2000xf32, #tpu.memory_space<hbm>>) dst(%dma_wait3A_129 : memref<2000xf32, #tpu.memory_space<vmem>>)
    %dma_wait3A_132 = arith.constant 8000 : i32
    %dma_wait3A_133 = tpu.memref_slice %arg10[%dma_wait3A_132] : memref<10000xf32, #tpu.memory_space<vmem>> -> memref<2000xf32, #tpu.memory_space<vmem>>
    %dma_wait3A_134 = arith.constant 8192 : i32
    %dma_wait3A_135 = tpu.memref_slice %arg4[%dma_wait3A_134] : memref<20480xf32, #tpu.memory_space<hbm>> -> memref<2000xf32, #tpu.memory_space<hbm>>
    %dma_wait3A_136 = arith.constant 8000 : i32
    %dma_wait3A_137 = tpu.memref_slice %arg10[%dma_wait3A_136] : memref<10000xf32, #tpu.memory_space<vmem>> -> memref<2000xf32, #tpu.memory_space<vmem>>
    %dma_wait3A_138 = arith.constant 8192 : i32
    %dma_wait3A_139 = tpu.memref_slice %arg4[%dma_wait3A_138] : memref<20480xf32, #tpu.memory_space<hbm>> -> memref<2000xf32, #tpu.memory_space<hbm>>
    tpu.wait_dma2 semaphore(%arg14 : memref<!tpu.dma_semaphore, #tpu.memory_space<semaphore_mem>>) src(%dma_wait3A_139 : memref<2000xf32, #tpu.memory_space<hbm>>) dst(%dma_wait3A_137 : memref<2000xf32, #tpu.memory_space<vmem>>)
    %dma_wait3A_140 = arith.constant 0 : i32
    %dma_wait3A_141 = tpu.memref_slice %arg11[%dma_wait3A_140] : memref<10000xf32, #tpu.memory_space<vmem>> -> memref<2000xf32, #tpu.memory_space<vmem>>
    %dma_wait3A_142 = arith.constant 10240 : i32
    %dma_wait3A_143 = tpu.memref_slice %arg4[%dma_wait3A_142] : memref<20480xf32, #tpu.memory_space<hbm>> -> memref<2000xf32, #tpu.memory_space<hbm>>
    %dma_wait3A_144 = arith.constant 0 : i32
    %dma_wait3A_145 = tpu.memref_slice %arg11[%dma_wait3A_144] : memref<10000xf32, #tpu.memory_space<vmem>> -> memref<2000xf32, #tpu.memory_space<vmem>>
    %dma_wait3A_146 = arith.constant 10240 : i32
    %dma_wait3A_147 = tpu.memref_slice %arg4[%dma_wait3A_146] : memref<20480xf32, #tpu.memory_space<hbm>> -> memref<2000xf32, #tpu.memory_space<hbm>>
    tpu.wait_dma2 semaphore(%arg14 : memref<!tpu.dma_semaphore, #tpu.memory_space<semaphore_mem>>) src(%dma_wait3A_147 : memref<2000xf32, #tpu.memory_space<hbm>>) dst(%dma_wait3A_145 : memref<2000xf32, #tpu.memory_space<vmem>>)
    %dma_wait3A_148 = arith.constant 2000 : i32
    %dma_wait3A_149 = tpu.memref_slice %arg11[%dma_wait3A_148] : memref<10000xf32, #tpu.memory_space<vmem>> -> memref<2000xf32, #tpu.memory_space<vmem>>
    %dma_wait3A_150 = arith.constant 12288 : i32
    %dma_wait3A_151 = tpu.memref_slice %arg4[%dma_wait3A_150] : memref<20480xf32, #tpu.memory_space<hbm>> -> memref<2000xf32, #tpu.memory_space<hbm>>
    %dma_wait3A_152 = arith.constant 2000 : i32
    %dma_wait3A_153 = tpu.memref_slice %arg11[%dma_wait3A_152] : memref<10000xf32, #tpu.memory_space<vmem>> -> memref<2000xf32, #tpu.memory_space<vmem>>
    %dma_wait3A_154 = arith.constant 12288 : i32
    %dma_wait3A_155 = tpu.memref_slice %arg4[%dma_wait3A_154] : memref<20480xf32, #tpu.memory_space<hbm>> -> memref<2000xf32, #tpu.memory_space<hbm>>
    tpu.wait_dma2 semaphore(%arg14 : memref<!tpu.dma_semaphore, #tpu.memory_space<semaphore_mem>>) src(%dma_wait3A_155 : memref<2000xf32, #tpu.memory_space<hbm>>) dst(%dma_wait3A_153 : memref<2000xf32, #tpu.memory_space<vmem>>)
    %dma_wait3A_156 = arith.constant 4000 : i32
    %dma_wait3A_157 = tpu.memref_slice %arg11[%dma_wait3A_156] : memref<10000xf32, #tpu.memory_space<vmem>> -> memref<2000xf32, #tpu.memory_space<vmem>>
    %dma_wait3A_158 = arith.constant 14336 : i32
    %dma_wait3A_159 = tpu.memref_slice %arg4[%dma_wait3A_158] : memref<20480xf32, #tpu.memory_space<hbm>> -> memref<2000xf32, #tpu.memory_space<hbm>>
    %dma_wait3A_160 = arith.constant 4000 : i32
    %dma_wait3A_161 = tpu.memref_slice %arg11[%dma_wait3A_160] : memref<10000xf32, #tpu.memory_space<vmem>> -> memref<2000xf32, #tpu.memory_space<vmem>>
    %dma_wait3A_162 = arith.constant 14336 : i32
    %dma_wait3A_163 = tpu.memref_slice %arg4[%dma_wait3A_162] : memref<20480xf32, #tpu.memory_space<hbm>> -> memref<2000xf32, #tpu.memory_space<hbm>>
    tpu.wait_dma2 semaphore(%arg14 : memref<!tpu.dma_semaphore, #tpu.memory_space<semaphore_mem>>) src(%dma_wait3A_163 : memref<2000xf32, #tpu.memory_space<hbm>>) dst(%dma_wait3A_161 : memref<2000xf32, #tpu.memory_space<vmem>>)
    %dma_wait3A_164 = arith.constant 6000 : i32
    %dma_wait3A_165 = tpu.memref_slice %arg11[%dma_wait3A_164] : memref<10000xf32, #tpu.memory_space<vmem>> -> memref<2000xf32, #tpu.memory_space<vmem>>
    %dma_wait3A_166 = arith.constant 16384 : i32
    %dma_wait3A_167 = tpu.memref_slice %arg4[%dma_wait3A_166] : memref<20480xf32, #tpu.memory_space<hbm>> -> memref<2000xf32, #tpu.memory_space<hbm>>
    %dma_wait3A_168 = arith.constant 6000 : i32
    %dma_wait3A_169 = tpu.memref_slice %arg11[%dma_wait3A_168] : memref<10000xf32, #tpu.memory_space<vmem>> -> memref<2000xf32, #tpu.memory_space<vmem>>
    %dma_wait3A_170 = arith.constant 16384 : i32
    %dma_wait3A_171 = tpu.memref_slice %arg4[%dma_wait3A_170] : memref<20480xf32, #tpu.memory_space<hbm>> -> memref<2000xf32, #tpu.memory_space<hbm>>
    tpu.wait_dma2 semaphore(%arg14 : memref<!tpu.dma_semaphore, #tpu.memory_space<semaphore_mem>>) src(%dma_wait3A_171 : memref<2000xf32, #tpu.memory_space<hbm>>) dst(%dma_wait3A_169 : memref<2000xf32, #tpu.memory_space<vmem>>)
    %dma_wait3A_172 = arith.constant 8000 : i32
    %dma_wait3A_173 = tpu.memref_slice %arg11[%dma_wait3A_172] : memref<10000xf32, #tpu.memory_space<vmem>> -> memref<2000xf32, #tpu.memory_space<vmem>>
    %dma_wait3A_174 = arith.constant 18432 : i32
    %dma_wait3A_175 = tpu.memref_slice %arg4[%dma_wait3A_174] : memref<20480xf32, #tpu.memory_space<hbm>> -> memref<2000xf32, #tpu.memory_space<hbm>>
    %dma_wait3A_176 = arith.constant 8000 : i32
    %dma_wait3A_177 = tpu.memref_slice %arg11[%dma_wait3A_176] : memref<10000xf32, #tpu.memory_space<vmem>> -> memref<2000xf32, #tpu.memory_space<vmem>>
    %dma_wait3A_178 = arith.constant 18432 : i32
    %dma_wait3A_179 = tpu.memref_slice %arg4[%dma_wait3A_178] : memref<20480xf32, #tpu.memory_space<hbm>> -> memref<2000xf32, #tpu.memory_space<hbm>>
    tpu.wait_dma2 semaphore(%arg14 : memref<!tpu.dma_semaphore, #tpu.memory_space<semaphore_mem>>) src(%dma_wait3A_179 : memref<2000xf32, #tpu.memory_space<hbm>>) dst(%dma_wait3A_177 : memref<2000xf32, #tpu.memory_space<vmem>>)
    %get3A = arith.constant 0 : index
    %get3A_180 = tpu.vector_load %arg13[%get3A] {strides = array<i32>} : memref<128xf32, #tpu.memory_space<vmem>>, vector<16xf32>,
    %reduce_max3A = arith.constant true
    %reduce_max3A_181 = vector.broadcast %reduce_max3A : i1 to vector<16xi1>
    %reduce_max3A_182 = tpu.scan <max>, %get3A_180 masked %reduce_max3A_181 : vector<16xf32>, vector<16xi1> -> vector<16xf32>
    %reduce_max3A_183 = vector.extract %reduce_max3A_182[15] : f32 from vector<16xf32>
    %scan3A_184 = arith.constant 0 : i32
    %scan3A_185 = arith.constant 0 : i32
    %scan3A_186 = arith.constant 125 : i32
    %scan3A_187 = arith.addi %scan3A_185, %scan3A_186 : i32
    %scan3A_188 = arith.constant 1 : i32
    scf.for %scan3A_194 = %scan3A_185 to %scan3A_187 step %scan3A_188  : i32 {
      %mul3A_195 = arith.constant 5 : i32
      %mul3A_196 = arith.muli %scan3A_194, %mul3A_195 : i32
      %add3A_197 = arith.constant 0 : i32
      %add3A_198 = arith.addi %mul3A_196, %add3A_197 : i32
      %mul3A_199 = arith.constant 16 : i32
      %mul3A_200 = arith.muli %add3A_198, %mul3A_199 : i32
      %multiple_of3A = tpu.assume_multiple %mul3A_200, 16 : i32
      %get3A_201 = arith.index_cast %multiple_of3A : i32 to index
      %get3A_202 = tpu.vector_load %arg7[%get3A_201] {strides = array<i32>} : memref<10000xi32, #tpu.memory_space<vmem>>, vector<16xi32>,
      %get3A_203 = arith.index_cast %multiple_of3A : i32 to index
      %get3A_204 = tpu.vector_load %arg8[%get3A_203] {strides = array<i32>} : memref<10000xi32, #tpu.memory_space<vmem>>, vector<16xi32>,
      %gather3A = tpu.vector_load_idx %arg10[%get3A_202] : memref<10000xf32, #tpu.memory_space<vmem>>[vector<16xi32>], vector<16xf32>,
      %gather3A_205 = tpu.vector_load_idx %arg11[%get3A_204] : memref<10000xf32, #tpu.memory_space<vmem>>[vector<16xi32>], vector<16xf32>,
      %add3A_206 = arith.addf %gather3A, %gather3A_205 : vector<16xf32>
      %mul3A_207 = arith.constant 5 : i32
      %mul3A_208 = arith.muli %scan3A_194, %mul3A_207 : i32
      %add3A_209 = arith.constant 1 : i32
      %add3A_210 = arith.addi %mul3A_208, %add3A_209 : i32
      %mul3A_211 = arith.constant 16 : i32
      %mul3A_212 = arith.muli %add3A_210, %mul3A_211 : i32
      %multiple_of3A_213 = tpu.assume_multiple %mul3A_212, 16 : i32
      %get3A_214 = arith.index_cast %multiple_of3A_213 : i32 to index
      %get3A_215 = tpu.vector_load %arg7[%get3A_214] {strides = array<i32>} : memref<10000xi32, #tpu.memory_space<vmem>>, vector<16xi32>,
      %get3A_216 = arith.index_cast %multiple_of3A_213 : i32 to index
      %get3A_217 = tpu.vector_load %arg8[%get3A_216] {strides = array<i32>} : memref<10000xi32, #tpu.memory_space<vmem>>, vector<16xi32>,
      %gather3A_218 = tpu.vector_load_idx %arg10[%get3A_215] : memref<10000xf32, #tpu.memory_space<vmem>>[vector<16xi32>], vector<16xf32>,
      %gather3A_219 = tpu.vector_load_idx %arg11[%get3A_217] : memref<10000xf32, #tpu.memory_space<vmem>>[vector<16xi32>], vector<16xf32>,
      %add3A_220 = arith.addf %gather3A_218, %gather3A_219 : vector<16xf32>
      %mul3A_221 = arith.constant 5 : i32
      %mul3A_222 = arith.muli %scan3A_194, %mul3A_221 : i32
      %add3A_223 = arith.constant 2 : i32
      %add3A_224 = arith.addi %mul3A_222, %add3A_223 : i32
      %mul3A_225 = arith.constant 16 : i32
      %mul3A_226 = arith.muli %add3A_224, %mul3A_225 : i32
      %multiple_of3A_227 = tpu.assume_multiple %mul3A_226, 16 : i32
      %get3A_228 = arith.index_cast %multiple_of3A_227 : i32 to index
      %get3A_229 = tpu.vector_load %arg7[%get3A_228] {strides = array<i32>} : memref<10000xi32, #tpu.memory_space<vmem>>, vector<16xi32>,
      %get3A_230 = arith.index_cast %multiple_of3A_227 : i32 to index
      %get3A_231 = tpu.vector_load %arg8[%get3A_230] {strides = array<i32>} : memref<10000xi32, #tpu.memory_space<vmem>>, vector<16xi32>,
      %gather3A_232 = tpu.vector_load_idx %arg10[%get3A_229] : memref<10000xf32, #tpu.memory_space<vmem>>[vector<16xi32>], vector<16xf32>,
      %gather3A_233 = tpu.vector_load_idx %arg11[%get3A_231] : memref<10000xf32, #tpu.memory_space<vmem>>[vector<16xi32>], vector<16xf32>,
      %add3A_234 = arith.addf %gather3A_232, %gather3A_233 : vector<16xf32>
      %mul3A_235 = arith.constant 5 : i32
      %mul3A_236 = arith.muli %scan3A_194, %mul3A_235 : i32
      %add3A_237 = arith.constant 3 : i32
      %add3A_238 = arith.addi %mul3A_236, %add3A_237 : i32
      %mul3A_239 = arith.constant 16 : i32
      %mul3A_240 = arith.muli %add3A_238, %mul3A_239 : i32
      %multiple_of3A_241 = tpu.assume_multiple %mul3A_240, 16 : i32
      %get3A_242 = arith.index_cast %multiple_of3A_241 : i32 to index
      %get3A_243 = tpu.vector_load %arg7[%get3A_242] {strides = array<i32>} : memref<10000xi32, #tpu.memory_space<vmem>>, vector<16xi32>,
      %get3A_244 = arith.index_cast %multiple_of3A_241 : i32 to index
      %get3A_245 = tpu.vector_load %arg8[%get3A_244] {strides = array<i32>} : memref<10000xi32, #tpu.memory_space<vmem>>, vector<16xi32>,
      %gather3A_246 = tpu.vector_load_idx %arg10[%get3A_243] : memref<10000xf32, #tpu.memory_space<vmem>>[vector<16xi32>], vector<16xf32>,
      %gather3A_247 = tpu.vector_load_idx %arg11[%get3A_245] : memref<10000xf32, #tpu.memory_space<vmem>>[vector<16xi32>], vector<16xf32>,
      %add3A_248 = arith.addf %gather3A_246, %gather3A_247 : vector<16xf32>
      %mul3A_249 = arith.constant 5 : i32
      %mul3A_250 = arith.muli %scan3A_194, %mul3A_249 : i32
      %add3A_251 = arith.constant 4 : i32
      %add3A_252 = arith.addi %mul3A_250, %add3A_251 : i32
      %mul3A_253 = arith.constant 16 : i32
      %mul3A_254 = arith.muli %add3A_252, %mul3A_253 : i32
      %multiple_of3A_255 = tpu.assume_multiple %mul3A_254, 16 : i32
      %get3A_256 = arith.index_cast %multiple_of3A_255 : i32 to index
      %get3A_257 = tpu.vector_load %arg7[%get3A_256] {strides = array<i32>} : memref<10000xi32, #tpu.memory_space<vmem>>, vector<16xi32>,
      %get3A_258 = arith.index_cast %multiple_of3A_255 : i32 to index
      %get3A_259 = tpu.vector_load %arg8[%get3A_258] {strides = array<i32>} : memref<10000xi32, #tpu.memory_space<vmem>>, vector<16xi32>,
      %gather3A_260 = tpu.vector_load_idx %arg10[%get3A_257] : memref<10000xf32, #tpu.memory_space<vmem>>[vector<16xi32>], vector<16xf32>,
      %gather3A_261 = tpu.vector_load_idx %arg11[%get3A_259] : memref<10000xf32, #tpu.memory_space<vmem>>[vector<16xi32>], vector<16xf32>,
      %add3A_262 = arith.addf %gather3A_260, %gather3A_261 : vector<16xf32>
      %abs3A = math.absf %add3A_206 : vector<16xf32>
      %neg3A = arith.constant 0.000000e+00 : f32
      %neg3A_263 = vector.broadcast %neg3A : f32 to vector<16xf32>
      %neg3A_264 = arith.subf %neg3A_263, %abs3A : vector<16xf32>
      %exp3A = math.exp %neg3A_264 : vector<16xf32>
      %abs3A_265 = math.absf %add3A_220 : vector<16xf32>
      %neg3A_266 = arith.constant 0.000000e+00 : f32
      %neg3A_267 = vector.broadcast %neg3A_266 : f32 to vector<16xf32>
      %neg3A_268 = arith.subf %neg3A_267, %abs3A_265 : vector<16xf32>
      %exp3A_269 = math.exp %neg3A_268 : vector<16xf32>
      %abs3A_270 = math.absf %add3A_234 : vector<16xf32>
      %neg3A_271 = arith.constant 0.000000e+00 : f32
      %neg3A_272 = vector.broadcast %neg3A_271 : f32 to vector<16xf32>
      %neg3A_273 = arith.subf %neg3A_272, %abs3A_270 : vector<16xf32>
      %exp3A_274 = math.exp %neg3A_273 : vector<16xf32>
      %abs3A_275 = math.absf %add3A_248 : vector<16xf32>
      %neg3A_276 = arith.constant 0.000000e+00 : f32
      %neg3A_277 = vector.broadcast %neg3A_276 : f32 to vector<16xf32>
      %neg3A_278 = arith.subf %neg3A_277, %abs3A_275 : vector<16xf32>
      %exp3A_279 = math.exp %neg3A_278 : vector<16xf32>
      %abs3A_280 = math.absf %add3A_262 : vector<16xf32>
      %neg3A_281 = arith.constant 0.000000e+00 : f32
      %neg3A_282 = vector.broadcast %neg3A_281 : f32 to vector<16xf32>
      %neg3A_283 = arith.subf %neg3A_282, %abs3A_280 : vector<16xf32>
      %exp3A_284 = math.exp %neg3A_283 : vector<16xf32>
      %add3A_285 = arith.constant 1.000000e+00 : f32
      %add3A_286 = vector.broadcast %add3A_285 : f32 to vector<16xf32>
      %add3A_287 = arith.addf %add3A_286, %exp3A : vector<16xf32>
      %mul3A_288 = arith.constant 0.470588207 : f32
      %mul3A_289 = vector.broadcast %mul3A_288 : f32 to vector<16xf32>
      %mul3A_290 = arith.mulf %mul3A_289, %add3A_287 : vector<16xf32>
      %sub3A = arith.constant 1.41176474 : f32
      %sub3A_291 = vector.broadcast %sub3A : f32 to vector<16xf32>
      %sub3A_292 = arith.subf %sub3A_291, %mul3A_290 : vector<16xf32>
      %mul3A_293 = arith.mulf %add3A_287, %sub3A_292 : vector<16xf32>
      %sub3A_294 = arith.constant 2.000000e+00 : f32
      %sub3A_295 = vector.broadcast %sub3A_294 : f32 to vector<16xf32>
      %sub3A_296 = arith.subf %sub3A_295, %mul3A_293 : vector<16xf32>
      %mul3A_297 = arith.mulf %sub3A_292, %sub3A_296 : vector<16xf32>
      %mul3A_298 = arith.mulf %add3A_287, %mul3A_297 : vector<16xf32>
      %sub3A_299 = arith.constant 2.000000e+00 : f32
      %sub3A_300 = vector.broadcast %sub3A_299 : f32 to vector<16xf32>
      %sub3A_301 = arith.subf %sub3A_300, %mul3A_298 : vector<16xf32>
      %mul3A_302 = arith.mulf %mul3A_297, %sub3A_301 : vector<16xf32>
      %ge3A = arith.constant 0.000000e+00 : f32
      %ge3A_303 = vector.broadcast %ge3A : f32 to vector<16xf32>
      %ge3A_304 = arith.cmpf oge, %add3A_206, %ge3A_303 : vector<16xf32>
      %sub3A_305 = arith.constant 1.000000e+00 : f32
      %sub3A_306 = vector.broadcast %sub3A_305 : f32 to vector<16xf32>
      %sub3A_307 = arith.subf %sub3A_306, %mul3A_302 : vector<16xf32>
      %select_n3A = arith.select %ge3A_304, %mul3A_302, %sub3A_307 : vector<16xi1>, vector<16xf32>
      %get3A_308 = arith.index_cast %multiple_of3A : i32 to index
      %get3A_309 = tpu.vector_load %arg9[%get3A_308] {strides = array<i32>} : memref<10000xf32, #tpu.memory_space<vmem>>, vector<16xf32>,
      %mul3A_310 = arith.mulf %select_n3A, %get3A_309 : vector<16xf32>
      %sub3A_311 = vector.broadcast %reduce_max3A_183 : f32 to vector<16xf32>
      %sub3A_312 = arith.subf %mul3A_310, %sub3A_311 : vector<16xf32>
      %add3A_313 = arith.constant 1.000000e+00 : f32
      %add3A_314 = vector.broadcast %add3A_313 : f32 to vector<16xf32>
      %add3A_315 = arith.addf %add3A_314, %exp3A_269 : vector<16xf32>
      %mul3A_316 = arith.constant 0.470588207 : f32
      %mul3A_317 = vector.broadcast %mul3A_316 : f32 to vector<16xf32>
      %mul3A_318 = arith.mulf %mul3A_317, %add3A_315 : vector<16xf32>
      %sub3A_319 = arith.constant 1.41176474 : f32
      %sub3A_320 = vector.broadcast %sub3A_319 : f32 to vector<16xf32>
      %sub3A_321 = arith.subf %sub3A_320, %mul3A_318 : vector<16xf32>
      %mul3A_322 = arith.mulf %add3A_315, %sub3A_321 : vector<16xf32>
      %sub3A_323 = arith.constant 2.000000e+00 : f32
      %sub3A_324 = vector.broadcast %sub3A_323 : f32 to vector<16xf32>
      %sub3A_325 = arith.subf %sub3A_324, %mul3A_322 : vector<16xf32>
      %mul3A_326 = arith.mulf %sub3A_321, %sub3A_325 : vector<16xf32>
      %mul3A_327 = arith.mulf %add3A_315, %mul3A_326 : vector<16xf32>
      %sub3A_328 = arith.constant 2.000000e+00 : f32
      %sub3A_329 = vector.broadcast %sub3A_328 : f32 to vector<16xf32>
      %sub3A_330 = arith.subf %sub3A_329, %mul3A_327 : vector<16xf32>
      %mul3A_331 = arith.mulf %mul3A_326, %sub3A_330 : vector<16xf32>
      %ge3A_332 = arith.constant 0.000000e+00 : f32
      %ge3A_333 = vector.broadcast %ge3A_332 : f32 to vector<16xf32>
      %ge3A_334 = arith.cmpf oge, %add3A_220, %ge3A_333 : vector<16xf32>
      %sub3A_335 = arith.constant 1.000000e+00 : f32
      %sub3A_336 = vector.broadcast %sub3A_335 : f32 to vector<16xf32>
      %sub3A_337 = arith.subf %sub3A_336, %mul3A_331 : vector<16xf32>
      %select_n3A_338 = arith.select %ge3A_334, %mul3A_331, %sub3A_337 : vector<16xi1>, vector<16xf32>
      %get3A_339 = arith.index_cast %multiple_of3A_213 : i32 to index
      %get3A_340 = tpu.vector_load %arg9[%get3A_339] {strides = array<i32>} : memref<10000xf32, #tpu.memory_space<vmem>>, vector<16xf32>,
      %mul3A_341 = arith.mulf %select_n3A_338, %get3A_340 : vector<16xf32>
      %sub3A_342 = vector.broadcast %reduce_max3A_183 : f32 to vector<16xf32>
      %sub3A_343 = arith.subf %mul3A_341, %sub3A_342 : vector<16xf32>
      %add3A_344 = arith.constant 1.000000e+00 : f32
      %add3A_345 = vector.broadcast %add3A_344 : f32 to vector<16xf32>
      %add3A_346 = arith.addf %add3A_345, %exp3A_274 : vector<16xf32>
      %mul3A_347 = arith.constant 0.470588207 : f32
      %mul3A_348 = vector.broadcast %mul3A_347 : f32 to vector<16xf32>
      %mul3A_349 = arith.mulf %mul3A_348, %add3A_346 : vector<16xf32>
      %sub3A_350 = arith.constant 1.41176474 : f32
      %sub3A_351 = vector.broadcast %sub3A_350 : f32 to vector<16xf32>
      %sub3A_352 = arith.subf %sub3A_351, %mul3A_349 : vector<16xf32>
      %mul3A_353 = arith.mulf %add3A_346, %sub3A_352 : vector<16xf32>
      %sub3A_354 = arith.constant 2.000000e+00 : f32
      %sub3A_355 = vector.broadcast %sub3A_354 : f32 to vector<16xf32>
      %sub3A_356 = arith.subf %sub3A_355, %mul3A_353 : vector<16xf32>
      %mul3A_357 = arith.mulf %sub3A_352, %sub3A_356 : vector<16xf32>
      %mul3A_358 = arith.mulf %add3A_346, %mul3A_357 : vector<16xf32>
      %sub3A_359 = arith.constant 2.000000e+00 : f32
      %sub3A_360 = vector.broadcast %sub3A_359 : f32 to vector<16xf32>
      %sub3A_361 = arith.subf %sub3A_360, %mul3A_358 : vector<16xf32>
      %mul3A_362 = arith.mulf %mul3A_357, %sub3A_361 : vector<16xf32>
      %ge3A_363 = arith.constant 0.000000e+00 : f32
      %ge3A_364 = vector.broadcast %ge3A_363 : f32 to vector<16xf32>
      %ge3A_365 = arith.cmpf oge, %add3A_234, %ge3A_364 : vector<16xf32>
      %sub3A_366 = arith.constant 1.000000e+00 : f32
      %sub3A_367 = vector.broadcast %sub3A_366 : f32 to vector<16xf32>
      %sub3A_368 = arith.subf %sub3A_367, %mul3A_362 : vector<16xf32>
      %select_n3A_369 = arith.select %ge3A_365, %mul3A_362, %sub3A_368 : vector<16xi1>, vector<16xf32>
      %get3A_370 = arith.index_cast %multiple_of3A_227 : i32 to index
      %get3A_371 = tpu.vector_load %arg9[%get3A_370] {strides = array<i32>} : memref<10000xf32, #tpu.memory_space<vmem>>, vector<16xf32>,
      %mul3A_372 = arith.mulf %select_n3A_369, %get3A_371 : vector<16xf32>
      %sub3A_373 = vector.broadcast %reduce_max3A_183 : f32 to vector<16xf32>
      %sub3A_374 = arith.subf %mul3A_372, %sub3A_373 : vector<16xf32>
      %add3A_375 = arith.constant 1.000000e+00 : f32
      %add3A_376 = vector.broadcast %add3A_375 : f32 to vector<16xf32>
      %add3A_377 = arith.addf %add3A_376, %exp3A_279 : vector<16xf32>
      %mul3A_378 = arith.constant 0.470588207 : f32
      %mul3A_379 = vector.broadcast %mul3A_378 : f32 to vector<16xf32>
      %mul3A_380 = arith.mulf %mul3A_379, %add3A_377 : vector<16xf32>
      %sub3A_381 = arith.constant 1.41176474 : f32
      %sub3A_382 = vector.broadcast %sub3A_381 : f32 to vector<16xf32>
      %sub3A_383 = arith.subf %sub3A_382, %mul3A_380 : vector<16xf32>
      %mul3A_384 = arith.mulf %add3A_377, %sub3A_383 : vector<16xf32>
      %sub3A_385 = arith.constant 2.000000e+00 : f32
      %sub3A_386 = vector.broadcast %sub3A_385 : f32 to vector<16xf32>
      %sub3A_387 = arith.subf %sub3A_386, %mul3A_384 : vector<16xf32>
      %mul3A_388 = arith.mulf %sub3A_383, %sub3A_387 : vector<16xf32>
      %mul3A_389 = arith.mulf %add3A_377, %mul3A_388 : vector<16xf32>
      %sub3A_390 = arith.constant 2.000000e+00 : f32
      %sub3A_391 = vector.broadcast %sub3A_390 : f32 to vector<16xf32>
      %sub3A_392 = arith.subf %sub3A_391, %mul3A_389 : vector<16xf32>
      %mul3A_393 = arith.mulf %mul3A_388, %sub3A_392 : vector<16xf32>
      %ge3A_394 = arith.constant 0.000000e+00 : f32
      %ge3A_395 = vector.broadcast %ge3A_394 : f32 to vector<16xf32>
      %ge3A_396 = arith.cmpf oge, %add3A_248, %ge3A_395 : vector<16xf32>
      %sub3A_397 = arith.constant 1.000000e+00 : f32
      %sub3A_398 = vector.broadcast %sub3A_397 : f32 to vector<16xf32>
      %sub3A_399 = arith.subf %sub3A_398, %mul3A_393 : vector<16xf32>
      %select_n3A_400 = arith.select %ge3A_396, %mul3A_393, %sub3A_399 : vector<16xi1>, vector<16xf32>
      %get3A_401 = arith.index_cast %multiple_of3A_241 : i32 to index
      %get3A_402 = tpu.vector_load %arg9[%get3A_401] {strides = array<i32>} : memref<10000xf32, #tpu.memory_space<vmem>>, vector<16xf32>,
      %mul3A_403 = arith.mulf %select_n3A_400, %get3A_402 : vector<16xf32>
      %sub3A_404 = vector.broadcast %reduce_max3A_183 : f32 to vector<16xf32>
      %sub3A_405 = arith.subf %mul3A_403, %sub3A_404 : vector<16xf32>
      %add3A_406 = arith.constant 1.000000e+00 : f32
      %add3A_407 = vector.broadcast %add3A_406 : f32 to vector<16xf32>
      %add3A_408 = arith.addf %add3A_407, %exp3A_284 : vector<16xf32>
      %mul3A_409 = arith.constant 0.470588207 : f32
      %mul3A_410 = vector.broadcast %mul3A_409 : f32 to vector<16xf32>
      %mul3A_411 = arith.mulf %mul3A_410, %add3A_408 : vector<16xf32>
      %sub3A_412 = arith.constant 1.41176474 : f32
      %sub3A_413 = vector.broadcast %sub3A_412 : f32 to vector<16xf32>
      %sub3A_414 = arith.subf %sub3A_413, %mul3A_411 : vector<16xf32>
      %mul3A_415 = arith.mulf %add3A_408, %sub3A_414 : vector<16xf32>
      %sub3A_416 = arith.constant 2.000000e+00 : f32
      %sub3A_417 = vector.broadcast %sub3A_416 : f32 to vector<16xf32>
      %sub3A_418 = arith.subf %sub3A_417, %mul3A_415 : vector<16xf32>
      %mul3A_419 = arith.mulf %sub3A_414, %sub3A_418 : vector<16xf32>
      %mul3A_420 = arith.mulf %add3A_408, %mul3A_419 : vector<16xf32>
      %sub3A_421 = arith.constant 2.000000e+00 : f32
      %sub3A_422 = vector.broadcast %sub3A_421 : f32 to vector<16xf32>
      %sub3A_423 = arith.subf %sub3A_422, %mul3A_420 : vector<16xf32>
      %mul3A_424 = arith.mulf %mul3A_419, %sub3A_423 : vector<16xf32>
      %ge3A_425 = arith.constant 0.000000e+00 : f32
      %ge3A_426 = vector.broadcast %ge3A_425 : f32 to vector<16xf32>
      %ge3A_427 = arith.cmpf oge, %add3A_262, %ge3A_426 : vector<16xf32>
      %sub3A_428 = arith.constant 1.000000e+00 : f32
      %sub3A_429 = vector.broadcast %sub3A_428 : f32 to vector<16xf32>
      %sub3A_430 = arith.subf %sub3A_429, %mul3A_424 : vector<16xf32>
      %select_n3A_431 = arith.select %ge3A_427, %mul3A_424, %sub3A_430 : vector<16xi1>, vector<16xf32>
      %get3A_432 = arith.index_cast %multiple_of3A_255 : i32 to index
      %get3A_433 = tpu.vector_load %arg9[%get3A_432] {strides = array<i32>} : memref<10000xf32, #tpu.memory_space<vmem>>, vector<16xf32>,
      %mul3A_434 = arith.mulf %select_n3A_431, %get3A_433 : vector<16xf32>
      %sub3A_435 = vector.broadcast %reduce_max3A_183 : f32 to vector<16xf32>
      %sub3A_436 = arith.subf %mul3A_434, %sub3A_435 : vector<16xf32>
      %exp3A_437 = math.exp %sub3A_312 : vector<16xf32>
      %exp3A_438 = math.exp %sub3A_343 : vector<16xf32>
      %exp3A_439 = math.exp %sub3A_374 : vector<16xf32>
      %exp3A_440 = math.exp %sub3A_405 : vector<16xf32>
      %exp3A_441 = math.exp %sub3A_436 : vector<16xf32>
      tpu.vector_store_idx %arg12[%get3A_202], %exp3A_437 {add = true} : memref<10000xf32, #tpu.memory_space<vmem>>[vector<16xi32>], vector<16xf32>,
      tpu.vector_store_idx %arg12[%get3A_215], %exp3A_438 {add = true} : memref<10000xf32, #tpu.memory_space<vmem>>[vector<16xi32>], vector<16xf32>,
      tpu.vector_store_idx %arg12[%get3A_229], %exp3A_439 {add = true} : memref<10000xf32, #tpu.memory_space<vmem>>[vector<16xi32>], vector<16xf32>,
      tpu.vector_store_idx %arg12[%get3A_243], %exp3A_440 {add = true} : memref<10000xf32, #tpu.memory_space<vmem>>[vector<16xi32>], vector<16xf32>,
      tpu.vector_store_idx %arg12[%get3A_257], %exp3A_441 {add = true} : memref<10000xf32, #tpu.memory_space<vmem>>[vector<16xi32>], vector<16xf32>,
    }
    %scan3A_189 = arith.constant 125 : i32
    %run_scoped3A = arith.constant 0 : i32
    "tpu.region"() ({
      %run_scoped3A_194 = tpu.sem_alloc : memref<!tpu.dma_semaphore, #tpu.memory_space<semaphore_mem>>
      %dma_start3A_195 = arith.constant 0 : i32
      %dma_start3A_196 = tpu.memref_slice %arg12[%dma_start3A_195] : memref<10000xf32, #tpu.memory_space<vmem>> -> memref<2000xf32, #tpu.memory_space<vmem>>
      %dma_start3A_197 = arith.constant 0 : i32
      %dma_start3A_198 = tpu.memref_slice %arg6[%run_scoped3A, %add3A, %dma_start3A_197] : memref<5x32x2048xf32, #tpu.memory_space<hbm>> -> memref<1x1x2000xf32, #tpu.memory_space<hbm>>
      %dma_start3A_199 = tpu.memref_squeeze %dma_start3A_198 : memref<1x1x2000xf32, #tpu.memory_space<hbm>> -> memref<2000xf32, #tpu.memory_space<hbm>>
      %dma_start3A_200 = arith.constant 0 : i32
      %dma_start3A_201 = tpu.memref_slice %arg6[%run_scoped3A, %add3A, %dma_start3A_200] : memref<5x32x2048xf32, #tpu.memory_space<hbm>> -> memref<1x1x2000xf32, #tpu.memory_space<hbm>>
      %dma_start3A_202 = tpu.memref_squeeze %dma_start3A_201 : memref<1x1x2000xf32, #tpu.memory_space<hbm>> -> memref<2000xf32, #tpu.memory_space<hbm>>
      %dma_start3A_203 = arith.constant 0 : i32
      %dma_start3A_204 = tpu.memref_slice %arg12[%dma_start3A_203] : memref<10000xf32, #tpu.memory_space<vmem>> -> memref<2000xf32, #tpu.memory_space<vmem>>
      tpu.enqueue_dma source(%dma_start3A_204 : memref<2000xf32, #tpu.memory_space<vmem>>) target(%dma_start3A_202 : memref<2000xf32, #tpu.memory_space<hbm>>) target_semaphore(%run_scoped3A_194 : memref<!tpu.dma_semaphore, #tpu.memory_space<semaphore_mem>>)
      %dma_wait3A_205 = arith.constant 0 : i32
      %dma_wait3A_206 = tpu.memref_slice %arg12[%dma_wait3A_205] : memref<10000xf32, #tpu.memory_space<vmem>> -> memref<2000xf32, #tpu.memory_space<vmem>>
      %dma_wait3A_207 = arith.constant 0 : i32
      %dma_wait3A_208 = tpu.memref_slice %arg6[%run_scoped3A, %add3A, %dma_wait3A_207] : memref<5x32x2048xf32, #tpu.memory_space<hbm>> -> memref<1x1x2000xf32, #tpu.memory_space<hbm>>
      %dma_wait3A_209 = tpu.memref_squeeze %dma_wait3A_208 : memref<1x1x2000xf32, #tpu.memory_space<hbm>> -> memref<2000xf32, #tpu.memory_space<hbm>>
      %dma_wait3A_210 = arith.constant 0 : i32
      %dma_wait3A_211 = tpu.memref_slice %arg6[%run_scoped3A, %add3A, %dma_wait3A_210] : memref<5x32x2048xf32, #tpu.memory_space<hbm>> -> memref<1x1x2000xf32, #tpu.memory_space<hbm>>
      %dma_wait3A_212 = tpu.memref_squeeze %dma_wait3A_211 : memref<1x1x2000xf32, #tpu.memory_space<hbm>> -> memref<2000xf32, #tpu.memory_space<hbm>>
      %dma_wait3A_213 = arith.constant 0 : i32
      %dma_wait3A_214 = tpu.memref_slice %arg12[%dma_wait3A_213] : memref<10000xf32, #tpu.memory_space<vmem>> -> memref<2000xf32, #tpu.memory_space<vmem>>
      tpu.wait_dma2 semaphore(%run_scoped3A_194 : memref<!tpu.dma_semaphore, #tpu.memory_space<semaphore_mem>>) src(%dma_wait3A_214 : memref<2000xf32, #tpu.memory_space<vmem>>) dst(%dma_wait3A_212 : memref<2000xf32, #tpu.memory_space<hbm>>)
      tpu.yield
    }) : () -> ()
    %run_scoped3A_190 = arith.constant 1 : i32
    "tpu.region"() ({
      %run_scoped3A_194 = tpu.sem_alloc : memref<!tpu.dma_semaphore, #tpu.memory_space<semaphore_mem>>
      %dma_start3A_195 = arith.constant 2000 : i32
      %dma_start3A_196 = tpu.memref_slice %arg12[%dma_start3A_195] : memref<10000xf32, #tpu.memory_space<vmem>> -> memref<2000xf32, #tpu.memory_space<vmem>>
      %dma_start3A_197 = arith.constant 0 : i32
      %dma_start3A_198 = tpu.memref_slice %arg6[%run_scoped3A_190, %add3A, %dma_start3A_197] : memref<5x32x2048xf32, #tpu.memory_space<hbm>> -> memref<1x1x2000xf32, #tpu.memory_space<hbm>>
      %dma_start3A_199 = tpu.memref_squeeze %dma_start3A_198 : memref<1x1x2000xf32, #tpu.memory_space<hbm>> -> memref<2000xf32, #tpu.memory_space<hbm>>
      %dma_start3A_200 = arith.constant 0 : i32
      %dma_start3A_201 = tpu.memref_slice %arg6[%run_scoped3A_190, %add3A, %dma_start3A_200] : memref<5x32x2048xf32, #tpu.memory_space<hbm>> -> memref<1x1x2000xf32, #tpu.memory_space<hbm>>
      %dma_start3A_202 = tpu.memref_squeeze %dma_start3A_201 : memref<1x1x2000xf32, #tpu.memory_space<hbm>> -> memref<2000xf32, #tpu.memory_space<hbm>>
      %dma_start3A_203 = arith.constant 2000 : i32
      %dma_start3A_204 = tpu.memref_slice %arg12[%dma_start3A_203] : memref<10000xf32, #tpu.memory_space<vmem>> -> memref<2000xf32, #tpu.memory_space<vmem>>
      tpu.enqueue_dma source(%dma_start3A_204 : memref<2000xf32, #tpu.memory_space<vmem>>) target(%dma_start3A_202 : memref<2000xf32, #tpu.memory_space<hbm>>) target_semaphore(%run_scoped3A_194 : memref<!tpu.dma_semaphore, #tpu.memory_space<semaphore_mem>>)
      %dma_wait3A_205 = arith.constant 2000 : i32
      %dma_wait3A_206 = tpu.memref_slice %arg12[%dma_wait3A_205] : memref<10000xf32, #tpu.memory_space<vmem>> -> memref<2000xf32, #tpu.memory_space<vmem>>
      %dma_wait3A_207 = arith.constant 0 : i32
      %dma_wait3A_208 = tpu.memref_slice %arg6[%run_scoped3A_190, %add3A, %dma_wait3A_207] : memref<5x32x2048xf32, #tpu.memory_space<hbm>> -> memref<1x1x2000xf32, #tpu.memory_space<hbm>>
      %dma_wait3A_209 = tpu.memref_squeeze %dma_wait3A_208 : memref<1x1x2000xf32, #tpu.memory_space<hbm>> -> memref<2000xf32, #tpu.memory_space<hbm>>
      %dma_wait3A_210 = arith.constant 0 : i32
      %dma_wait3A_211 = tpu.memref_slice %arg6[%run_scoped3A_190, %add3A, %dma_wait3A_210] : memref<5x32x2048xf32, #tpu.memory_space<hbm>> -> memref<1x1x2000xf32, #tpu.memory_space<hbm>>
      %dma_wait3A_212 = tpu.memref_squeeze %dma_wait3A_211 : memref<1x1x2000xf32, #tpu.memory_space<hbm>> -> memref<2000xf32, #tpu.memory_space<hbm>>
      %dma_wait3A_213 = arith.constant 2000 : i32
      %dma_wait3A_214 = tpu.memref_slice %arg12[%dma_wait3A_213] : memref<10000xf32, #tpu.memory_space<vmem>> -> memref<2000xf32, #tpu.memory_space<vmem>>
      tpu.wait_dma2 semaphore(%run_scoped3A_194 : memref<!tpu.dma_semaphore, #tpu.memory_space<semaphore_mem>>) src(%dma_wait3A_214 : memref<2000xf32, #tpu.memory_space<vmem>>) dst(%dma_wait3A_212 : memref<2000xf32, #tpu.memory_space<hbm>>)
      tpu.yield
    }) : () -> ()
    %run_scoped3A_191 = arith.constant 2 : i32
    "tpu.region"() ({
      %run_scoped3A_194 = tpu.sem_alloc : memref<!tpu.dma_semaphore, #tpu.memory_space<semaphore_mem>>
      %dma_start3A_195 = arith.constant 4000 : i32
      %dma_start3A_196 = tpu.memref_slice %arg12[%dma_start3A_195] : memref<10000xf32, #tpu.memory_space<vmem>> -> memref<2000xf32, #tpu.memory_space<vmem>>
      %dma_start3A_197 = arith.constant 0 : i32
      %dma_start3A_198 = tpu.memref_slice %arg6[%run_scoped3A_191, %add3A, %dma_start3A_197] : memref<5x32x2048xf32, #tpu.memory_space<hbm>> -> memref<1x1x2000xf32, #tpu.memory_space<hbm>>
      %dma_start3A_199 = tpu.memref_squeeze %dma_start3A_198 : memref<1x1x2000xf32, #tpu.memory_space<hbm>> -> memref<2000xf32, #tpu.memory_space<hbm>>
      %dma_start3A_200 = arith.constant 0 : i32
      %dma_start3A_201 = tpu.memref_slice %arg6[%run_scoped3A_191, %add3A, %dma_start3A_200] : memref<5x32x2048xf32, #tpu.memory_space<hbm>> -> memref<1x1x2000xf32, #tpu.memory_space<hbm>>
      %dma_start3A_202 = tpu.memref_squeeze %dma_start3A_201 : memref<1x1x2000xf32, #tpu.memory_space<hbm>> -> memref<2000xf32, #tpu.memory_space<hbm>>
      %dma_start3A_203 = arith.constant 4000 : i32
      %dma_start3A_204 = tpu.memref_slice %arg12[%dma_start3A_203] : memref<10000xf32, #tpu.memory_space<vmem>> -> memref<2000xf32, #tpu.memory_space<vmem>>
      tpu.enqueue_dma source(%dma_start3A_204 : memref<2000xf32, #tpu.memory_space<vmem>>) target(%dma_start3A_202 : memref<2000xf32, #tpu.memory_space<hbm>>) target_semaphore(%run_scoped3A_194 : memref<!tpu.dma_semaphore, #tpu.memory_space<semaphore_mem>>)
      %dma_wait3A_205 = arith.constant 4000 : i32
      %dma_wait3A_206 = tpu.memref_slice %arg12[%dma_wait3A_205] : memref<10000xf32, #tpu.memory_space<vmem>> -> memref<2000xf32, #tpu.memory_space<vmem>>
      %dma_wait3A_207 = arith.constant 0 : i32
      %dma_wait3A_208 = tpu.memref_slice %arg6[%run_scoped3A_191, %add3A, %dma_wait3A_207] : memref<5x32x2048xf32, #tpu.memory_space<hbm>> -> memref<1x1x2000xf32, #tpu.memory_space<hbm>>
      %dma_wait3A_209 = tpu.memref_squeeze %dma_wait3A_208 : memref<1x1x2000xf32, #tpu.memory_space<hbm>> -> memref<2000xf32, #tpu.memory_space<hbm>>
      %dma_wait3A_210 = arith.constant 0 : i32
      %dma_wait3A_211 = tpu.memref_slice %arg6[%run_scoped3A_191, %add3A, %dma_wait3A_210] : memref<5x32x2048xf32, #tpu.memory_space<hbm>> -> memref<1x1x2000xf32, #tpu.memory_space<hbm>>
      %dma_wait3A_212 = tpu.memref_squeeze %dma_wait3A_211 : memref<1x1x2000xf32, #tpu.memory_space<hbm>> -> memref<2000xf32, #tpu.memory_space<hbm>>
      %dma_wait3A_213 = arith.constant 4000 : i32
      %dma_wait3A_214 = tpu.memref_slice %arg12[%dma_wait3A_213] : memref<10000xf32, #tpu.memory_space<vmem>> -> memref<2000xf32, #tpu.memory_space<vmem>>
      tpu.wait_dma2 semaphore(%run_scoped3A_194 : memref<!tpu.dma_semaphore, #tpu.memory_space<semaphore_mem>>) src(%dma_wait3A_214 : memref<2000xf32, #tpu.memory_space<vmem>>) dst(%dma_wait3A_212 : memref<2000xf32, #tpu.memory_space<hbm>>)
      tpu.yield
    }) : () -> ()
    %run_scoped3A_192 = arith.constant 3 : i32
    "tpu.region"() ({
      %run_scoped3A_194 = tpu.sem_alloc : memref<!tpu.dma_semaphore, #tpu.memory_space<semaphore_mem>>
      %dma_start3A_195 = arith.constant 6000 : i32
      %dma_start3A_196 = tpu.memref_slice %arg12[%dma_start3A_195] : memref<10000xf32, #tpu.memory_space<vmem>> -> memref<2000xf32, #tpu.memory_space<vmem>>
      %dma_start3A_197 = arith.constant 0 : i32
      %dma_start3A_198 = tpu.memref_slice %arg6[%run_scoped3A_192, %add3A, %dma_start3A_197] : memref<5x32x2048xf32, #tpu.memory_space<hbm>> -> memref<1x1x2000xf32, #tpu.memory_space<hbm>>
      %dma_start3A_199 = tpu.memref_squeeze %dma_start3A_198 : memref<1x1x2000xf32, #tpu.memory_space<hbm>> -> memref<2000xf32, #tpu.memory_space<hbm>>
      %dma_start3A_200 = arith.constant 0 : i32
      %dma_start3A_201 = tpu.memref_slice %arg6[%run_scoped3A_192, %add3A, %dma_start3A_200] : memref<5x32x2048xf32, #tpu.memory_space<hbm>> -> memref<1x1x2000xf32, #tpu.memory_space<hbm>>
      %dma_start3A_202 = tpu.memref_squeeze %dma_start3A_201 : memref<1x1x2000xf32, #tpu.memory_space<hbm>> -> memref<2000xf32, #tpu.memory_space<hbm>>
      %dma_start3A_203 = arith.constant 6000 : i32
      %dma_start3A_204 = tpu.memref_slice %arg12[%dma_start3A_203] : memref<10000xf32, #tpu.memory_space<vmem>> -> memref<2000xf32, #tpu.memory_space<vmem>>
      tpu.enqueue_dma source(%dma_start3A_204 : memref<2000xf32, #tpu.memory_space<vmem>>) target(%dma_start3A_202 : memref<2000xf32, #tpu.memory_space<hbm>>) target_semaphore(%run_scoped3A_194 : memref<!tpu.dma_semaphore, #tpu.memory_space<semaphore_mem>>)
      %dma_wait3A_205 = arith.constant 6000 : i32
      %dma_wait3A_206 = tpu.memref_slice %arg12[%dma_wait3A_205] : memref<10000xf32, #tpu.memory_space<vmem>> -> memref<2000xf32, #tpu.memory_space<vmem>>
      %dma_wait3A_207 = arith.constant 0 : i32
      %dma_wait3A_208 = tpu.memref_slice %arg6[%run_scoped3A_192, %add3A, %dma_wait3A_207] : memref<5x32x2048xf32, #tpu.memory_space<hbm>> -> memref<1x1x2000xf32, #tpu.memory_space<hbm>>
      %dma_wait3A_209 = tpu.memref_squeeze %dma_wait3A_208 : memref<1x1x2000xf32, #tpu.memory_space<hbm>> -> memref<2000xf32, #tpu.memory_space<hbm>>
      %dma_wait3A_210 = arith.constant 0 : i32
      %dma_wait3A_211 = tpu.memref_slice %arg6[%run_scoped3A_192, %add3A, %dma_wait3A_210] : memref<5x32x2048xf32, #tpu.memory_space<hbm>> -> memref<1x1x2000xf32, #tpu.memory_space<hbm>>
      %dma_wait3A_212 = tpu.memref_squeeze %dma_wait3A_211 : memref<1x1x2000xf32, #tpu.memory_space<hbm>> -> memref<2000xf32, #tpu.memory_space<hbm>>
      %dma_wait3A_213 = arith.constant 6000 : i32
      %dma_wait3A_214 = tpu.memref_slice %arg12[%dma_wait3A_213] : memref<10000xf32, #tpu.memory_space<vmem>> -> memref<2000xf32, #tpu.memory_space<vmem>>
      tpu.wait_dma2 semaphore(%run_scoped3A_194 : memref<!tpu.dma_semaphore, #tpu.memory_space<semaphore_mem>>) src(%dma_wait3A_214 : memref<2000xf32, #tpu.memory_space<vmem>>) dst(%dma_wait3A_212 : memref<2000xf32, #tpu.memory_space<hbm>>)
      tpu.yield
    }) : () -> ()
    %run_scoped3A_193 = arith.constant 4 : i32
    "tpu.region"() ({
      %run_scoped3A_194 = tpu.sem_alloc : memref<!tpu.dma_semaphore, #tpu.memory_space<semaphore_mem>>
      %dma_start3A_195 = arith.constant 8000 : i32
      %dma_start3A_196 = tpu.memref_slice %arg12[%dma_start3A_195] : memref<10000xf32, #tpu.memory_space<vmem>> -> memref<2000xf32, #tpu.memory_space<vmem>>
      %dma_start3A_197 = arith.constant 0 : i32
      %dma_start3A_198 = tpu.memref_slice %arg6[%run_scoped3A_193, %add3A, %dma_start3A_197] : memref<5x32x2048xf32, #tpu.memory_space<hbm>> -> memref<1x1x2000xf32, #tpu.memory_space<hbm>>
      %dma_start3A_199 = tpu.memref_squeeze %dma_start3A_198 : memref<1x1x2000xf32, #tpu.memory_space<hbm>> -> memref<2000xf32, #tpu.memory_space<hbm>>
      %dma_start3A_200 = arith.constant 0 : i32
      %dma_start3A_201 = tpu.memref_slice %arg6[%run_scoped3A_193, %add3A, %dma_start3A_200] : memref<5x32x2048xf32, #tpu.memory_space<hbm>> -> memref<1x1x2000xf32, #tpu.memory_space<hbm>>
      %dma_start3A_202 = tpu.memref_squeeze %dma_start3A_201 : memref<1x1x2000xf32, #tpu.memory_space<hbm>> -> memref<2000xf32, #tpu.memory_space<hbm>>
      %dma_start3A_203 = arith.constant 8000 : i32
      %dma_start3A_204 = tpu.memref_slice %arg12[%dma_start3A_203] : memref<10000xf32, #tpu.memory_space<vmem>> -> memref<2000xf32, #tpu.memory_space<vmem>>
      tpu.enqueue_dma source(%dma_start3A_204 : memref<2000xf32, #tpu.memory_space<vmem>>) target(%dma_start3A_202 : memref<2000xf32, #tpu.memory_space<hbm>>) target_semaphore(%run_scoped3A_194 : memref<!tpu.dma_semaphore, #tpu.memory_space<semaphore_mem>>)
      %dma_wait3A_205 = arith.constant 8000 : i32
      %dma_wait3A_206 = tpu.memref_slice %arg12[%dma_wait3A_205] : memref<10000xf32, #tpu.memory_space<vmem>> -> memref<2000xf32, #tpu.memory_space<vmem>>
      %dma_wait3A_207 = arith.constant 0 : i32
      %dma_wait3A_208 = tpu.memref_slice %arg6[%run_scoped3A_193, %add3A, %dma_wait3A_207] : memref<5x32x2048xf32, #tpu.memory_space<hbm>> -> memref<1x1x2000xf32, #tpu.memory_space<hbm>>
      %dma_wait3A_209 = tpu.memref_squeeze %dma_wait3A_208 : memref<1x1x2000xf32, #tpu.memory_space<hbm>> -> memref<2000xf32, #tpu.memory_space<hbm>>
      %dma_wait3A_210 = arith.constant 0 : i32
      %dma_wait3A_211 = tpu.memref_slice %arg6[%run_scoped3A_193, %add3A, %dma_wait3A_210] : memref<5x32x2048xf32, #tpu.memory_space<hbm>> -> memref<1x1x2000xf32, #tpu.memory_space<hbm>>
      %dma_wait3A_212 = tpu.memref_squeeze %dma_wait3A_211 : memref<1x1x2000xf32, #tpu.memory_space<hbm>> -> memref<2000xf32, #tpu.memory_space<hbm>>
      %dma_wait3A_213 = arith.constant 8000 : i32
      %dma_wait3A_214 = tpu.memref_slice %arg12[%dma_wait3A_213] : memref<10000xf32, #tpu.memory_space<vmem>> -> memref<2000xf32, #tpu.memory_space<vmem>>
      tpu.wait_dma2 semaphore(%run_scoped3A_194 : memref<!tpu.dma_semaphore, #tpu.memory_space<semaphore_mem>>) src(%dma_wait3A_214 : memref<2000xf32, #tpu.memory_space<vmem>>) dst(%dma_wait3A_212 : memref<2000xf32, #tpu.memory_space<hbm>>)
      tpu.yield
    }) : () -> ()
    return
  }
}

module attributes {stable_mosaic.version = 14 : i64} {
  func.func @_final_body(%arg0: i32, %arg1: memref<5x32x2048xf32, #tpu.memory_space<hbm>>, %arg2: memref<2000x128xf32, #tpu.memory_space<vmem>>, %arg3: memref<128x128xf32, #tpu.memory_space<vmem>>, %arg4: memref<128x512xf32, #tpu.memory_space<vmem>>, %arg5: memref<1x512xf32, #tpu.memory_space<vmem>>, %arg6: memref<512x128xf32, #tpu.memory_space<vmem>>, %arg7: memref<1x128xf32, #tpu.memory_space<vmem>>, %arg8: memref<128x16xf32, #tpu.memory_space<vmem>>, %arg9: memref<1x16xf32, #tpu.memory_space<vmem>>, %arg10: memref<16x1xf32, #tpu.memory_space<vmem>>, %arg11: memref<1x1xf32, #tpu.memory_space<vmem>>, %arg12: memref<1x1xf32, #tpu.memory_space<vmem>>, %arg13: memref<32x2048xf32, #tpu.memory_space<vmem>>, %arg14: memref<!tpu.dma_semaphore, #tpu.memory_space<semaphore_mem>>, %arg15: memref<1x128xf32, #tpu.memory_space<vmem>>, %arg16: memref<1x1xf32, #tpu.memory_space<smem>>) attributes {dimension_semantics = [#tpu.dimension_semantics<arbitrary>], iteration_bounds = array<i64: 5>, scalar_prefetch = 0 : i64, scratch_operands = 4 : i64, tpu.core_type = #tpu.core_type<tc>, window_params = [{}, {transform_indices = @transform_1, window_bounds = array<i64: 2000, 128>}, {pipeline_mode = #tpu.pipeline_mode<synchronous>, transform_indices = @transform_2, window_bounds = array<i64: 128, 128>}, {pipeline_mode = #tpu.pipeline_mode<synchronous>, transform_indices = @transform_3, window_bounds = array<i64: 128, 512>}, {pipeline_mode = #tpu.pipeline_mode<synchronous>, transform_indices = @transform_4, window_bounds = array<i64: 1, 512>}, {pipeline_mode = #tpu.pipeline_mode<synchronous>, transform_indices = @transform_5, window_bounds = array<i64: 512, 128>}, {pipeline_mode = #tpu.pipeline_mode<synchronous>, transform_indices = @transform_6, window_bounds = array<i64: 1, 128>}, {pipeline_mode = #tpu.pipeline_mode<synchronous>, transform_indices = @transform_7, window_bounds = array<i64: 128, 16>}, {pipeline_mode = #tpu.pipeline_mode<synchronous>, transform_indices = @transform_8, window_bounds = array<i64: 1, 16>}, {pipeline_mode = #tpu.pipeline_mode<synchronous>, transform_indices = @transform_9, window_bounds = array<i64: 16, 1>}, {pipeline_mode = #tpu.pipeline_mode<synchronous>, transform_indices = @transform_10, window_bounds = array<i64: 1, 1>}, {pipeline_mode = #tpu.pipeline_mode<synchronous>, transform_indices = @transform_11, window_bounds = array<i64: 1, 1>}]} {
    %eq3A = arith.constant 0 : i32
    %eq3A_0 = arith.cmpi eq, %arg0, %eq3A : i32
    %convert_element_type3A = arith.extui %eq3A_0 : i1 to i32
    %cond3A = arith.constant 0 : i32
    %cond3A_1 = arith.cmpi ne, %convert_element_type3A, %cond3A : i32
    scf.if %cond3A_1 {
      %broadcast_in_dim3A_46 = arith.constant 0.000000e+00 : f32
      %broadcast_in_dim3A_47 = vector.broadcast %broadcast_in_dim3A_46 : f32 to vector<1x128xf32>
      %swap3A_48 = arith.constant 0 : index
      %swap3A_49 = arith.constant 0 : index
      %swap3A_50 = vector.load %arg15[%swap3A_48, %swap3A_49] : memref<1x128xf32, #tpu.memory_space<vmem>>, vector<1x128xf32>
      tpu.vector_store %arg15[%swap3A_48, %swap3A_49], %broadcast_in_dim3A_47 {strides = array<i32>} : memref<1x128xf32, #tpu.memory_space<vmem>>, vector<1x128xf32>,
      %swap3A_51 = arith.constant 0.000000e+00 : f32
      %swap3A_52 = arith.constant 0 : index
      %swap3A_53 = arith.constant 0 : index
      %swap3A_54 = memref.load %arg16[%swap3A_52, %swap3A_53] : memref<1x1xf32, #tpu.memory_space<smem>>
      memref.store %swap3A_51, %arg16[%swap3A_52, %swap3A_53] : memref<1x1xf32, #tpu.memory_space<smem>>
    } else {
    }
    %dma_start3A = arith.constant 0 : i32
    %dma_start3A_2 = arith.constant 0 : i32
    %dma_start3A_3 = tpu.memref_slice %arg1[%arg0, %dma_start3A, %dma_start3A_2] : memref<5x32x2048xf32, #tpu.memory_space<hbm>> -> memref<1x32x2048xf32, #tpu.memory_space<hbm>>
    %dma_start3A_4 = tpu.memref_squeeze %dma_start3A_3 : memref<1x32x2048xf32, #tpu.memory_space<hbm>> -> memref<32x2048xf32, #tpu.memory_space<hbm>>
    tpu.enqueue_dma source(%dma_start3A_4 : memref<32x2048xf32, #tpu.memory_space<hbm>>) target(%arg13 : memref<32x2048xf32, #tpu.memory_space<vmem>>) target_semaphore(%arg14 : memref<!tpu.dma_semaphore, #tpu.memory_space<semaphore_mem>>)
    %get3A = arith.constant 0 : index
    %get3A_5 = arith.constant 0 : index
    %get3A_6 = vector.load %arg2[%get3A, %get3A_5] : memref<2000x128xf32, #tpu.memory_space<vmem>>, vector<2000x128xf32>
    %get3A_7 = arith.constant 0 : index
    %get3A_8 = arith.constant 0 : index
    %get3A_9 = vector.load %arg3[%get3A_7, %get3A_8] : memref<128x128xf32, #tpu.memory_space<vmem>>, vector<128x128xf32>
    %dot_general3A = arith.constant dense<0.000000e+00> : vector<2000x128xf32>
    %dot_general3A_10 = tpu.matmul %get3A_6, %get3A_9, %dot_general3A {dimension_numbers = #tpu.dot_dimension_numbers<[1], [0], [0], [1], [0, 0, 1, 1], [], []>, transpose_lhs_hint = false} : vector<2000x128xf32>, vector<128x128xf32>, vector<2000x128xf32> -> vector<2000x128xf32>
    %gt3A = arith.constant 0.000000e+00 : f32
    %gt3A_11 = vector.broadcast %gt3A : f32 to vector<2000x128xf32>
    %gt3A_12 = arith.cmpf ogt, %dot_general3A_10, %gt3A_11 : vector<2000x128xf32>
    %mul3A = arith.constant 9.99999974E-5 : f32
    %mul3A_13 = vector.broadcast %mul3A : f32 to vector<2000x128xf32>
    %mul3A_14 = arith.mulf %mul3A_13, %dot_general3A_10 : vector<2000x128xf32>
    %select_n3A = arith.select %gt3A_12, %dot_general3A_10, %mul3A_14 : vector<2000x128xi1>, vector<2000x128xf32>
    %dma_wait3A = arith.constant 0 : i32
    %dma_wait3A_15 = arith.constant 0 : i32
    %dma_wait3A_16 = tpu.memref_slice %arg1[%arg0, %dma_wait3A, %dma_wait3A_15] : memref<5x32x2048xf32, #tpu.memory_space<hbm>> -> memref<1x32x2048xf32, #tpu.memory_space<hbm>>
    %dma_wait3A_17 = tpu.memref_squeeze %dma_wait3A_16 : memref<1x32x2048xf32, #tpu.memory_space<hbm>> -> memref<32x2048xf32, #tpu.memory_space<hbm>>
    tpu.wait_dma2 semaphore(%arg14 : memref<!tpu.dma_semaphore, #tpu.memory_space<semaphore_mem>>) src(%dma_wait3A_17 : memref<32x2048xf32, #tpu.memory_space<hbm>>) dst(%arg13 : memref<32x2048xf32, #tpu.memory_space<vmem>>)
    %get3A_18 = arith.constant 0 : index
    %get3A_19 = arith.constant 0 : index
    %get3A_20 = vector.load %arg13[%get3A_18, %get3A_19] : memref<32x2048xf32, #tpu.memory_space<vmem>>, vector<32x2000xf32>
    %reduce_sum3A = arith.constant dense<0.000000e+00> : vector<2000xf32>
    %reduce_sum3A_21 = vector.multi_reduction <add>, %get3A_20, %reduce_sum3A [0] : vector<32x2000xf32> to vector<2000xf32>
    %broadcast_in_dim3A = vector.shape_cast %reduce_sum3A_21 : vector<2000xf32> to vector<1x2000xf32>
    %get3A_22 = arith.constant 0 : index
    %get3A_23 = arith.constant 0 : index
    %get3A_24 = vector.load %arg15[%get3A_22, %get3A_23] : memref<1x128xf32, #tpu.memory_space<vmem>>, vector<1x128xf32>
    %dot_general3A_25 = arith.constant dense<0.000000e+00> : vector<1x128xf32>
    %dot_general3A_26 = tpu.matmul %broadcast_in_dim3A, %select_n3A, %dot_general3A_25 {dimension_numbers = #tpu.dot_dimension_numbers<[1], [0], [0], [1], [0, 0, 1, 1], [], []>, transpose_lhs_hint = false} : vector<1x2000xf32>, vector<2000x128xf32>, vector<1x128xf32> -> vector<1x128xf32>
    %add3A = arith.addf %get3A_24, %dot_general3A_26 : vector<1x128xf32>
    %swap3A = arith.constant 0 : index
    %swap3A_27 = arith.constant 0 : index
    %swap3A_28 = vector.load %arg15[%swap3A, %swap3A_27] : memref<1x128xf32, #tpu.memory_space<vmem>>, vector<1x128xf32>
    tpu.vector_store %arg15[%swap3A, %swap3A_27], %add3A {strides = array<i32>} : memref<1x128xf32, #tpu.memory_space<vmem>>, vector<1x128xf32>,
    %get3A_29 = arith.constant 0 : index
    %get3A_30 = arith.constant 0 : index
    %get3A_31 = memref.load %arg16[%get3A_29, %get3A_30] : memref<1x1xf32, #tpu.memory_space<smem>>
    %reduce_sum3A_32 = vector.shape_cast %broadcast_in_dim3A : vector<1x2000xf32> to vector<1x1x2000xf32>
    %reduce_sum3A_33 = arith.constant dense<0.000000e+00> : vector<1xf32>
    %reduce_sum3A_34 = vector.multi_reduction <add>, %reduce_sum3A_32, %reduce_sum3A_33 [1, 2] : vector<1x1x2000xf32> to vector<1xf32>
    %reduce_sum3A_35 = vector.shape_cast %reduce_sum3A_34 : vector<1xf32> to vector<1x1x1xf32>
    %reduce_sum3A_36 = vector.extract %reduce_sum3A_35[0, 0, 0] : f32 from vector<1x1x1xf32>
    %add3A_37 = arith.addf %get3A_31, %reduce_sum3A_36 : f32
    %swap3A_38 = arith.constant 0 : index
    %swap3A_39 = arith.constant 0 : index
    %swap3A_40 = memref.load %arg16[%swap3A_38, %swap3A_39] : memref<1x1xf32, #tpu.memory_space<smem>>
    memref.store %add3A_37, %arg16[%swap3A_38, %swap3A_39] : memref<1x1xf32, #tpu.memory_space<smem>>
    %eq3A_41 = arith.constant 4 : i32
    %eq3A_42 = arith.cmpi eq, %arg0, %eq3A_41 : i32
    %convert_element_type3A_43 = arith.extui %eq3A_42 : i1 to i32
    %cond3A_44 = arith.constant 0 : i32
    %cond3A_45 = arith.cmpi ne, %convert_element_type3A_43, %cond3A_44 : i32
    scf.if %cond3A_45 {
      %get3A_46 = arith.constant 0 : index
      %get3A_47 = arith.constant 0 : index
      %get3A_48 = vector.load %arg15[%get3A_46, %get3A_47] : memref<1x128xf32, #tpu.memory_space<vmem>>, vector<1x128xf32>
      %get3A_49 = arith.constant 0 : index
      %get3A_50 = arith.constant 0 : index
      %get3A_51 = memref.load %arg16[%get3A_49, %get3A_50] : memref<1x1xf32, #tpu.memory_space<smem>>
      %div3A = vector.broadcast %get3A_51 : f32 to vector<1x128xf32>
      %div3A_52 = arith.divf %get3A_48, %div3A : vector<1x128xf32>
      %get3A_53 = arith.constant 0 : index
      %get3A_54 = arith.constant 0 : index
      %get3A_55 = vector.load %arg4[%get3A_53, %get3A_54] : memref<128x512xf32, #tpu.memory_space<vmem>>, vector<128x512xf32>
      %dot_general3A_56 = arith.constant dense<0.000000e+00> : vector<1x512xf32>
      %dot_general3A_57 = tpu.matmul %div3A_52, %get3A_55, %dot_general3A_56 {dimension_numbers = #tpu.dot_dimension_numbers<[1], [0], [0], [1], [0, 0, 1, 1], [], []>, transpose_lhs_hint = false} : vector<1x128xf32>, vector<128x512xf32>, vector<1x512xf32> -> vector<1x512xf32>
      %get3A_58 = arith.constant 0 : index
      %get3A_59 = arith.constant 0 : index
      %get3A_60 = vector.load %arg5[%get3A_58, %get3A_59] : memref<1x512xf32, #tpu.memory_space<vmem>>, vector<1x512xf32>
      %add3A_61 = arith.addf %dot_general3A_57, %get3A_60 : vector<1x512xf32>
      %max3A = arith.constant 0.000000e+00 : f32
      %max3A_62 = vector.broadcast %max3A : f32 to vector<1x512xf32>
      %max3A_63 = arith.maximumf %add3A_61, %max3A_62 : vector<1x512xf32>
      %get3A_64 = arith.constant 0 : index
      %get3A_65 = arith.constant 0 : index
      %get3A_66 = vector.load %arg6[%get3A_64, %get3A_65] : memref<512x128xf32, #tpu.memory_space<vmem>>, vector<512x128xf32>
      %dot_general3A_67 = arith.constant dense<0.000000e+00> : vector<1x128xf32>
      %dot_general3A_68 = tpu.matmul %max3A_63, %get3A_66, %dot_general3A_67 {dimension_numbers = #tpu.dot_dimension_numbers<[1], [0], [0], [1], [0, 0, 1, 1], [], []>, transpose_lhs_hint = false} : vector<1x512xf32>, vector<512x128xf32>, vector<1x128xf32> -> vector<1x128xf32>
      %get3A_69 = arith.constant 0 : index
      %get3A_70 = arith.constant 0 : index
      %get3A_71 = vector.load %arg7[%get3A_69, %get3A_70] : memref<1x128xf32, #tpu.memory_space<vmem>>, vector<1x128xf32>
      %add3A_72 = arith.addf %dot_general3A_68, %get3A_71 : vector<1x128xf32>
      %max3A_73 = arith.constant 0.000000e+00 : f32
      %max3A_74 = vector.broadcast %max3A_73 : f32 to vector<1x128xf32>
      %max3A_75 = arith.maximumf %add3A_72, %max3A_74 : vector<1x128xf32>
      %get3A_76 = arith.constant 0 : index
      %get3A_77 = arith.constant 0 : index
      %get3A_78 = vector.load %arg8[%get3A_76, %get3A_77] : memref<128x16xf32, #tpu.memory_space<vmem>>, vector<128x16xf32>
      %dot_general3A_79 = arith.constant dense<0.000000e+00> : vector<1x16xf32>
      %dot_general3A_80 = tpu.matmul %max3A_75, %get3A_78, %dot_general3A_79 {dimension_numbers = #tpu.dot_dimension_numbers<[1], [0], [0], [1], [0, 0, 1, 1], [], []>, transpose_lhs_hint = false} : vector<1x128xf32>, vector<128x16xf32>, vector<1x16xf32> -> vector<1x16xf32>
      %get3A_81 = arith.constant 0 : index
      %get3A_82 = arith.constant 0 : index
      %get3A_83 = vector.load %arg9[%get3A_81, %get3A_82] : memref<1x16xf32, #tpu.memory_space<vmem>>, vector<1x16xf32>
      %add3A_84 = arith.addf %dot_general3A_80, %get3A_83 : vector<1x16xf32>
      %max3A_85 = arith.constant 0.000000e+00 : f32
      %max3A_86 = vector.broadcast %max3A_85 : f32 to vector<1x16xf32>
      %max3A_87 = arith.maximumf %add3A_84, %max3A_86 : vector<1x16xf32>
      %get3A_88 = arith.constant 0 : index
      %get3A_89 = arith.constant 0 : index
      %get3A_90 = vector.load %arg10[%get3A_88, %get3A_89] : memref<16x1xf32, #tpu.memory_space<vmem>>, vector<16x1xf32>
      %dot_general3A_91 = arith.constant dense<0.000000e+00> : vector<1x1xf32>
      %dot_general3A_92 = tpu.matmul %max3A_87, %get3A_90, %dot_general3A_91 {dimension_numbers = #tpu.dot_dimension_numbers<[1], [0], [0], [1], [0, 0, 1, 1], [], []>, transpose_lhs_hint = false} : vector<1x16xf32>, vector<16x1xf32>, vector<1x1xf32> -> vector<1x1xf32>
      %get3A_93 = arith.constant 0 : index
      %get3A_94 = arith.constant 0 : index
      %get3A_95 = vector.load %arg11[%get3A_93, %get3A_94] : memref<1x1xf32, #tpu.memory_space<vmem>>, vector<1x1xf32>
      %add3A_96 = arith.addf %dot_general3A_92, %get3A_95 : vector<1x1xf32>
      %swap3A_97 = arith.constant 0 : index
      %swap3A_98 = arith.constant 0 : index
      %swap3A_99 = vector.load %arg12[%swap3A_97, %swap3A_98] : memref<1x1xf32, #tpu.memory_space<vmem>>, vector<1x1xf32>
      tpu.vector_store %arg12[%swap3A_97, %swap3A_98], %add3A_96 {strides = array<i32>} : memref<1x1xf32, #tpu.memory_space<vmem>>, vector<1x1xf32>,
    } else {
    }
    return
  }
  func.func @transform_1(%arg0: i32) -> (i32, i32) {
    %c0_i32 = arith.constant 0 : i32
    %c0_i32_0 = arith.constant 0 : i32
    return %arg0, %c0_i32 : i32, i32
  }
  func.func @transform_2(%arg0: i32) -> (i32, i32) {
    %c0_i32 = arith.constant 0 : i32
    %c0_i32_0 = arith.constant 0 : i32
    %c0_i32_1 = arith.constant 0 : i32
    return %c0_i32, %c0_i32_0 : i32, i32
  }
  func.func @transform_3(%arg0: i32) -> (i32, i32) {
    %c0_i32 = arith.constant 0 : i32
    %c0_i32_0 = arith.constant 0 : i32
    %c0_i32_1 = arith.constant 0 : i32
    return %c0_i32, %c0_i32_0 : i32, i32
  }
  func.func @transform_4(%arg0: i32) -> (i32, i32) {
    %c0_i32 = arith.constant 0 : i32
    %c0_i32_0 = arith.constant 0 : i32
    %c0_i32_1 = arith.constant 0 : i32
    return %c0_i32, %c0_i32_0 : i32, i32
  }
  func.func @transform_5(%arg0: i32) -> (i32, i32) {
    %c0_i32 = arith.constant 0 : i32
    %c0_i32_0 = arith.constant 0 : i32
    %c0_i32_1 = arith.constant 0 : i32
    return %c0_i32, %c0_i32_0 : i32, i32
  }
  func.func @transform_6(%arg0: i32) -> (i32, i32) {
    %c0_i32 = arith.constant 0 : i32
    %c0_i32_0 = arith.constant 0 : i32
    %c0_i32_1 = arith.constant 0 : i32
    return %c0_i32, %c0_i32_0 : i32, i32
  }
  func.func @transform_7(%arg0: i32) -> (i32, i32) {
    %c0_i32 = arith.constant 0 : i32
    %c0_i32_0 = arith.constant 0 : i32
    %c0_i32_1 = arith.constant 0 : i32
    return %c0_i32, %c0_i32_0 : i32, i32
  }
  func.func @transform_8(%arg0: i32) -> (i32, i32) {
    %c0_i32 = arith.constant 0 : i32
    %c0_i32_0 = arith.constant 0 : i32
    %c0_i32_1 = arith.constant 0 : i32
    return %c0_i32, %c0_i32_0 : i32, i32
  }
  func.func @transform_9(%arg0: i32) -> (i32, i32) {
    %c0_i32 = arith.constant 0 : i32
    %c0_i32_0 = arith.constant 0 : i32
    %c0_i32_1 = arith.constant 0 : i32
    return %c0_i32, %c0_i32_0 : i32, i32
  }
  func.func @transform_10(%arg0: i32) -> (i32, i32) {
    %c0_i32 = arith.constant 0 : i32
    %c0_i32_0 = arith.constant 0 : i32
    %c0_i32_1 = arith.constant 0 : i32
    return %c0_i32, %c0_i32_0 : i32, i32
  }
  func.func @transform_11(%arg0: i32) -> (i32, i32) {
    %c0_i32 = arith.constant 0 : i32
    %c0_i32_0 = arith.constant 0 : i32
    %c0_i32_1 = arith.constant 0 : i32
    return %c0_i32, %c0_i32_0 : i32, i32
  }
}

module attributes {stable_mosaic.version = 14 : i64} {
  func.func @_ab_body(%arg0: i32, %arg1: memref<2000x128xf32, #tpu.memory_space<vmem>>, %arg2: memref<128x128xf32, #tpu.memory_space<vmem>>, %arg3: memref<128x2xf32, #tpu.memory_space<vmem>>, %arg4: memref<16x320000xf32, #tpu.memory_space<hbm>>, %arg5: memref<16x128xf32, #tpu.memory_space<vmem>>, %arg6: memref<128x1xf32, #tpu.memory_space<vmem>>, %arg7: memref<2x64000xi32, #tpu.memory_space<vmem>>, %arg8: memref<20480xf32, #tpu.memory_space<hbm>>, %arg9: memref<320000xf32, #tpu.memory_space<hbm>>, %arg10: memref<1x128xf32, #tpu.memory_space<vmem>>, %arg11: memref<640000xi32, #tpu.memory_space<hbm>>, %arg12: memref<2x16x64000xf32, #tpu.memory_space<vmem>>, %arg13: memref<2x2048xf32, #tpu.memory_space<vmem>>, %arg14: memref<1x64000xf32, #tpu.memory_space<vmem>>, %arg15: memref<!tpu.dma_semaphore, #tpu.memory_space<semaphore_mem>>, %arg16: memref<!tpu.dma_semaphore, #tpu.memory_space<semaphore_mem>>, %arg17: memref<!tpu.dma_semaphore, #tpu.memory_space<semaphore_mem>>, %arg18: memref<1x1xf32, #tpu.memory_space<smem>>) attributes {dimension_semantics = [#tpu.dimension_semantics<arbitrary>], iteration_bounds = array<i64: 5>, scalar_prefetch = 0 : i64, scratch_operands = 7 : i64, tpu.core_type = #tpu.core_type<tc>, window_params = [{transform_indices = @transform_0, window_bounds = array<i64: 2000, 128>}, {pipeline_mode = #tpu.pipeline_mode<synchronous>, transform_indices = @transform_1, window_bounds = array<i64: 128, 128>}, {pipeline_mode = #tpu.pipeline_mode<synchronous>, transform_indices = @transform_2, window_bounds = array<i64: 128, 2>}, {}, {pipeline_mode = #tpu.pipeline_mode<synchronous>, transform_indices = @transform_4, window_bounds = array<i64: 16, 128>}, {pipeline_mode = #tpu.pipeline_mode<synchronous>, transform_indices = @transform_5, window_bounds = array<i64: 128, 1>}, {transform_indices = @transform_6, window_bounds = array<i64: 2, 64000>}, {}, {}, {pipeline_mode = #tpu.pipeline_mode<synchronous>, transform_indices = @transform_9, window_bounds = array<i64: 1, 128>}, {}]} {
    %eq3A = arith.constant 0 : i32
    %eq3A_0 = arith.cmpi eq, %arg0, %eq3A : i32
    %convert_element_type3A = arith.extui %eq3A_0 : i1 to i32
    %cond3A = arith.constant 0 : i32
    %cond3A_1 = arith.cmpi ne, %convert_element_type3A, %cond3A : i32
    scf.if %cond3A_1 {
      %dma_start3A_203 = arith.constant 0 : i32
      %dma_start3A_204 = arith.constant 0 : i32
      %dma_start3A_205 = arith.constant 0 : i32
      %dma_start3A_206 = tpu.memref_slice %arg12[%dma_start3A_203, %dma_start3A_204, %dma_start3A_205] : memref<2x16x64000xf32, #tpu.memory_space<vmem>> -> memref<1x16x64000xf32, #tpu.memory_space<vmem>>
      %dma_start3A_207 = tpu.memref_squeeze %dma_start3A_206 : memref<1x16x64000xf32, #tpu.memory_space<vmem>> -> memref<16x64000xf32, #tpu.memory_space<vmem>>
      %dma_start3A_208 = arith.constant 0 : i32
      %dma_start3A_209 = arith.constant 0 : i32
      %dma_start3A_210 = tpu.memref_slice %arg4[%dma_start3A_208, %dma_start3A_209] : memref<16x320000xf32, #tpu.memory_space<hbm>> -> memref<16x64000xf32, #tpu.memory_space<hbm>>
      tpu.enqueue_dma source(%dma_start3A_210 : memref<16x64000xf32, #tpu.memory_space<hbm>>) target(%dma_start3A_207 : memref<16x64000xf32, #tpu.memory_space<vmem>>) target_semaphore(%arg16 : memref<!tpu.dma_semaphore, #tpu.memory_space<semaphore_mem>>)
    } else {
    }
    %add3A = arith.constant 1 : i32
    %add3A_2 = arith.addi %arg0, %add3A : i32
    %lt3A = arith.constant 5 : i32
    %lt3A_3 = arith.cmpi slt, %add3A_2, %lt3A : i32
    %add3A_4 = arith.constant 1 : i32
    %add3A_5 = arith.addi %arg0, %add3A_4 : i32
    %jit3A = arith.constant 2 : i32
    %eq3A_6 = arith.constant 0 : i32
    %eq3A_7 = arith.cmpi eq, %jit3A, %eq3A_6 : i32
    %jit3A_8 = arith.constant 1 : i32
    %select_n3A = arith.select %eq3A_7, %jit3A_8, %jit3A : i32
    %rem3A = arith.remsi %add3A_5, %select_n3A : i32
    %ne3A = arith.constant 0 : i32
    %ne3A_9 = arith.cmpi ne, %rem3A, %ne3A : i32
    %lt3A_10 = arith.constant 0 : i32
    %lt3A_11 = arith.cmpi slt, %rem3A, %lt3A_10 : i32
    %lt3A_12 = arith.constant 0 : i32
    %lt3A_13 = arith.cmpi slt, %select_n3A, %lt3A_12 : i32
    %ne3A_14 = arith.xori %lt3A_11, %lt3A_13 : i1
    %and3A = arith.andi %ne3A_14, %ne3A_9 : i1
    %add3A_15 = arith.addi %rem3A, %select_n3A : i32
    %select_n3A_16 = arith.select %and3A, %add3A_15, %rem3A : i32
    %eq3A_17 = arith.constant 0 : i32
    %eq3A_18 = arith.cmpi eq, %select_n3A_16, %eq3A_17 : i32
    %and3A_19 = arith.andi %lt3A_3, %eq3A_18 : i1
    %convert_element_type3A_20 = arith.extui %and3A_19 : i1 to i32
    %cond3A_21 = arith.constant 0 : i32
    %cond3A_22 = arith.cmpi ne, %convert_element_type3A_20, %cond3A_21 : i32
    scf.if %cond3A_22 {
      %add3A_203 = arith.constant 1 : i32
      %add3A_204 = arith.addi %arg0, %add3A_203 : i32
      %mul3A_205 = arith.constant 64000 : i32
      %mul3A_206 = arith.muli %add3A_204, %mul3A_205 : i32
      %dma_start3A_207 = arith.constant 0 : i32
      %dma_start3A_208 = arith.constant 0 : i32
      %dma_start3A_209 = arith.constant 0 : i32
      %dma_start3A_210 = tpu.memref_slice %arg12[%dma_start3A_207, %dma_start3A_208, %dma_start3A_209] : memref<2x16x64000xf32, #tpu.memory_space<vmem>> -> memref<1x16x64000xf32, #tpu.memory_space<vmem>>
      %dma_start3A_211 = tpu.memref_squeeze %dma_start3A_210 : memref<1x16x64000xf32, #tpu.memory_space<vmem>> -> memref<16x64000xf32, #tpu.memory_space<vmem>>
      %dma_start3A_212 = arith.constant 0 : i32
      %dma_start3A_213 = tpu.memref_slice %arg4[%dma_start3A_212, %mul3A_206] : memref<16x320000xf32, #tpu.memory_space<hbm>> -> memref<16x64000xf32, #tpu.memory_space<hbm>>
      tpu.enqueue_dma source(%dma_start3A_213 : memref<16x64000xf32, #tpu.memory_space<hbm>>) target(%dma_start3A_211 : memref<16x64000xf32, #tpu.memory_space<vmem>>) target_semaphore(%arg16 : memref<!tpu.dma_semaphore, #tpu.memory_space<semaphore_mem>>)
    } else {
    }
    %add3A_23 = arith.constant 1 : i32
    %add3A_24 = arith.addi %arg0, %add3A_23 : i32
    %lt3A_25 = arith.constant 5 : i32
    %lt3A_26 = arith.cmpi slt, %add3A_24, %lt3A_25 : i32
    %add3A_27 = arith.constant 1 : i32
    %add3A_28 = arith.addi %arg0, %add3A_27 : i32
    %jit3A_29 = arith.constant 2 : i32
    %eq3A_30 = arith.constant 0 : i32
    %eq3A_31 = arith.cmpi eq, %jit3A_29, %eq3A_30 : i32
    %jit3A_32 = arith.constant 1 : i32
    %select_n3A_33 = arith.select %eq3A_31, %jit3A_32, %jit3A_29 : i32
    %rem3A_34 = arith.remsi %add3A_28, %select_n3A_33 : i32
    %ne3A_35 = arith.constant 0 : i32
    %ne3A_36 = arith.cmpi ne, %rem3A_34, %ne3A_35 : i32
    %lt3A_37 = arith.constant 0 : i32
    %lt3A_38 = arith.cmpi slt, %rem3A_34, %lt3A_37 : i32
    %lt3A_39 = arith.constant 0 : i32
    %lt3A_40 = arith.cmpi slt, %select_n3A_33, %lt3A_39 : i32
    %ne3A_41 = arith.xori %lt3A_38, %lt3A_40 : i1
    %and3A_42 = arith.andi %ne3A_41, %ne3A_36 : i1
    %add3A_43 = arith.addi %rem3A_34, %select_n3A_33 : i32
    %select_n3A_44 = arith.select %and3A_42, %add3A_43, %rem3A_34 : i32
    %eq3A_45 = arith.constant 1 : i32
    %eq3A_46 = arith.cmpi eq, %select_n3A_44, %eq3A_45 : i32
    %and3A_47 = arith.andi %lt3A_26, %eq3A_46 : i1
    %convert_element_type3A_48 = arith.extui %and3A_47 : i1 to i32
    %cond3A_49 = arith.constant 0 : i32
    %cond3A_50 = arith.cmpi ne, %convert_element_type3A_48, %cond3A_49 : i32
    scf.if %cond3A_50 {
      %add3A_203 = arith.constant 1 : i32
      %add3A_204 = arith.addi %arg0, %add3A_203 : i32
      %mul3A_205 = arith.constant 64000 : i32
      %mul3A_206 = arith.muli %add3A_204, %mul3A_205 : i32
      %dma_start3A_207 = arith.constant 1 : i32
      %dma_start3A_208 = arith.constant 0 : i32
      %dma_start3A_209 = arith.constant 0 : i32
      %dma_start3A_210 = tpu.memref_slice %arg12[%dma_start3A_207, %dma_start3A_208, %dma_start3A_209] : memref<2x16x64000xf32, #tpu.memory_space<vmem>> -> memref<1x16x64000xf32, #tpu.memory_space<vmem>>
      %dma_start3A_211 = tpu.memref_squeeze %dma_start3A_210 : memref<1x16x64000xf32, #tpu.memory_space<vmem>> -> memref<16x64000xf32, #tpu.memory_space<vmem>>
      %dma_start3A_212 = arith.constant 0 : i32
      %dma_start3A_213 = tpu.memref_slice %arg4[%dma_start3A_212, %mul3A_206] : memref<16x320000xf32, #tpu.memory_space<hbm>> -> memref<16x64000xf32, #tpu.memory_space<hbm>>
      tpu.enqueue_dma source(%dma_start3A_213 : memref<16x64000xf32, #tpu.memory_space<hbm>>) target(%dma_start3A_211 : memref<16x64000xf32, #tpu.memory_space<vmem>>) target_semaphore(%arg17 : memref<!tpu.dma_semaphore, #tpu.memory_space<semaphore_mem>>)
    } else {
    }
    %get3A = arith.constant 0 : index
    %get3A_51 = arith.constant 0 : index
    %get3A_52 = vector.load %arg1[%get3A, %get3A_51] : memref<2000x128xf32, #tpu.memory_space<vmem>>, vector<2000x128xf32>
    %get3A_53 = arith.constant 0 : index
    %get3A_54 = arith.constant 0 : index
    %get3A_55 = vector.load %arg2[%get3A_53, %get3A_54] : memref<128x128xf32, #tpu.memory_space<vmem>>, vector<128x128xf32>
    %dot_general3A = arith.constant dense<0.000000e+00> : vector<2000x128xf32>
    %dot_general3A_56 = tpu.matmul %get3A_52, %get3A_55, %dot_general3A {dimension_numbers = #tpu.dot_dimension_numbers<[1], [0], [0], [1], [0, 0, 1, 1], [], []>, transpose_lhs_hint = false} : vector<2000x128xf32>, vector<128x128xf32>, vector<2000x128xf32> -> vector<2000x128xf32>
    %gt3A = arith.constant 0.000000e+00 : f32
    %gt3A_57 = vector.broadcast %gt3A : f32 to vector<2000x128xf32>
    %gt3A_58 = arith.cmpf ogt, %dot_general3A_56, %gt3A_57 : vector<2000x128xf32>
    %mul3A = arith.constant 0.00999999977 : f32
    %mul3A_59 = vector.broadcast %mul3A : f32 to vector<2000x128xf32>
    %mul3A_60 = arith.mulf %mul3A_59, %dot_general3A_56 : vector<2000x128xf32>
    %select_n3A_61 = arith.select %gt3A_58, %dot_general3A_56, %mul3A_60 : vector<2000x128xi1>, vector<2000x128xf32>
    %get3A_62 = arith.constant 0 : index
    %get3A_63 = arith.constant 0 : index
    %get3A_64 = vector.load %arg3[%get3A_62, %get3A_63] : memref<128x2xf32, #tpu.memory_space<vmem>>, vector<128x2xf32>
    %dot_general3A_65 = arith.constant dense<0.000000e+00> : vector<2x2000xf32>
    %dot_general3A_66 = tpu.matmul %get3A_64, %select_n3A_61, %dot_general3A_65 {dimension_numbers = #tpu.dot_dimension_numbers<[0], [1], [1], [0], [0, 1, 1, 0], [], []>, transpose_lhs_hint = false} : vector<128x2xf32>, vector<2000x128xf32>, vector<2x2000xf32> -> vector<2x2000xf32>
    %swap3A = arith.constant 0 : index
    %swap3A_67 = arith.constant 0 : index
    %swap3A_68 = vector.load %arg13[%swap3A, %swap3A_67] : memref<2x2048xf32, #tpu.memory_space<vmem>>, vector<2x2000xf32>
    tpu.vector_store %arg13[%swap3A, %swap3A_67], %dot_general3A_66 {strides = array<i32>} : memref<2x2048xf32, #tpu.memory_space<vmem>>, vector<2x2000xf32>,
    %get3A_69 = arith.constant 0 : index
    %get3A_70 = arith.constant 0 : index
    %get3A_71 = vector.load %arg5[%get3A_69, %get3A_70] : memref<16x128xf32, #tpu.memory_space<vmem>>, vector<16x128xf32>
    %get3A_72 = arith.constant 0 : index
    %get3A_73 = arith.constant 0 : index
    %get3A_74 = vector.load %arg6[%get3A_72, %get3A_73] : memref<128x1xf32, #tpu.memory_space<vmem>>, vector<128x1xf32>
    %dot_general3A_75 = arith.constant dense<0.000000e+00> : vector<16x1xf32>
    %dot_general3A_76 = tpu.matmul %get3A_71, %get3A_74, %dot_general3A_75 {dimension_numbers = #tpu.dot_dimension_numbers<[1], [0], [0], [1], [0, 0, 1, 1], [], []>, transpose_lhs_hint = false} : vector<16x128xf32>, vector<128x1xf32>, vector<16x1xf32> -> vector<16x1xf32>
    %jit3A_77 = arith.constant 2 : i32
    %eq3A_78 = arith.constant 0 : i32
    %eq3A_79 = arith.cmpi eq, %jit3A_77, %eq3A_78 : i32
    %jit3A_80 = arith.constant 1 : i32
    %select_n3A_81 = arith.select %eq3A_79, %jit3A_80, %jit3A_77 : i32
    %rem3A_82 = arith.remsi %arg0, %select_n3A_81 : i32
    %ne3A_83 = arith.constant 0 : i32
    %ne3A_84 = arith.cmpi ne, %rem3A_82, %ne3A_83 : i32
    %lt3A_85 = arith.constant 0 : i32
    %lt3A_86 = arith.cmpi slt, %rem3A_82, %lt3A_85 : i32
    %lt3A_87 = arith.constant 0 : i32
    %lt3A_88 = arith.cmpi slt, %select_n3A_81, %lt3A_87 : i32
    %ne3A_89 = arith.xori %lt3A_86, %lt3A_88 : i1
    %and3A_90 = arith.andi %ne3A_89, %ne3A_84 : i1
    %add3A_91 = arith.addi %rem3A_82, %select_n3A_81 : i32
    %select_n3A_92 = arith.select %and3A_90, %add3A_91, %rem3A_82 : i32
    %eq3A_93 = arith.constant 0 : i32
    %eq3A_94 = arith.cmpi eq, %select_n3A_92, %eq3A_93 : i32
    %convert_element_type3A_95 = arith.extui %eq3A_94 : i1 to i32
    %cond3A_96 = arith.constant 0 : i32
    %cond3A_97 = arith.cmpi ne, %convert_element_type3A_95, %cond3A_96 : i32
    scf.if %cond3A_97 {
      %mul3A_203 = arith.constant 64000 : i32
      %mul3A_204 = arith.muli %arg0, %mul3A_203 : i32
      %dma_wait3A_205 = arith.constant 0 : i32
      %dma_wait3A_206 = arith.constant 0 : i32
      %dma_wait3A_207 = arith.constant 0 : i32
      %dma_wait3A_208 = tpu.memref_slice %arg12[%dma_wait3A_205, %dma_wait3A_206, %dma_wait3A_207] : memref<2x16x64000xf32, #tpu.memory_space<vmem>> -> memref<1x16x64000xf32, #tpu.memory_space<vmem>>
      %dma_wait3A_209 = tpu.memref_squeeze %dma_wait3A_208 : memref<1x16x64000xf32, #tpu.memory_space<vmem>> -> memref<16x64000xf32, #tpu.memory_space<vmem>>
      %dma_wait3A_210 = arith.constant 0 : i32
      %dma_wait3A_211 = tpu.memref_slice %arg4[%dma_wait3A_210, %mul3A_204] : memref<16x320000xf32, #tpu.memory_space<hbm>> -> memref<16x64000xf32, #tpu.memory_space<hbm>>
      tpu.wait_dma2 semaphore(%arg16 : memref<!tpu.dma_semaphore, #tpu.memory_space<semaphore_mem>>) src(%dma_wait3A_211 : memref<16x64000xf32, #tpu.memory_space<hbm>>) dst(%dma_wait3A_209 : memref<16x64000xf32, #tpu.memory_space<vmem>>)
      %get3A_212 = arith.constant 0 : index
      %get3A_213 = arith.constant 0 : index
      %get3A_214 = arith.constant 0 : index
      %get3A_215 = vector.load %arg12[%get3A_212, %get3A_213, %get3A_214] : memref<2x16x64000xf32, #tpu.memory_space<vmem>>, vector<1x16x64000xf32>
      %get3A_216 = vector.shape_cast %get3A_215 : vector<1x16x64000xf32> to vector<16x64000xf32>
      %dot_general3A_217 = arith.constant dense<0.000000e+00> : vector<1x64000xf32>
      %dot_general3A_218 = tpu.matmul %dot_general3A_76, %get3A_216, %dot_general3A_217 {dimension_numbers = #tpu.dot_dimension_numbers<[0], [0], [1], [1], [0, 1, 1, 1], [], []>, transpose_lhs_hint = false} : vector<16x1xf32>, vector<16x64000xf32>, vector<1x64000xf32> -> vector<1x64000xf32>
      %swap3A_219 = arith.constant 0 : index
      %swap3A_220 = arith.constant 0 : index
      %swap3A_221 = vector.load %arg14[%swap3A_219, %swap3A_220] : memref<1x64000xf32, #tpu.memory_space<vmem>>, vector<1x64000xf32>
      tpu.vector_store %arg14[%swap3A_219, %swap3A_220], %dot_general3A_218 {strides = array<i32>} : memref<1x64000xf32, #tpu.memory_space<vmem>>, vector<1x64000xf32>,
    } else {
    }
    %jit3A_98 = arith.constant 2 : i32
    %eq3A_99 = arith.constant 0 : i32
    %eq3A_100 = arith.cmpi eq, %jit3A_98, %eq3A_99 : i32
    %jit3A_101 = arith.constant 1 : i32
    %select_n3A_102 = arith.select %eq3A_100, %jit3A_101, %jit3A_98 : i32
    %rem3A_103 = arith.remsi %arg0, %select_n3A_102 : i32
    %ne3A_104 = arith.constant 0 : i32
    %ne3A_105 = arith.cmpi ne, %rem3A_103, %ne3A_104 : i32
    %lt3A_106 = arith.constant 0 : i32
    %lt3A_107 = arith.cmpi slt, %rem3A_103, %lt3A_106 : i32
    %lt3A_108 = arith.constant 0 : i32
    %lt3A_109 = arith.cmpi slt, %select_n3A_102, %lt3A_108 : i32
    %ne3A_110 = arith.xori %lt3A_107, %lt3A_109 : i1
    %and3A_111 = arith.andi %ne3A_110, %ne3A_105 : i1
    %add3A_112 = arith.addi %rem3A_103, %select_n3A_102 : i32
    %select_n3A_113 = arith.select %and3A_111, %add3A_112, %rem3A_103 : i32
    %eq3A_114 = arith.constant 1 : i32
    %eq3A_115 = arith.cmpi eq, %select_n3A_113, %eq3A_114 : i32
    %convert_element_type3A_116 = arith.extui %eq3A_115 : i1 to i32
    %cond3A_117 = arith.constant 0 : i32
    %cond3A_118 = arith.cmpi ne, %convert_element_type3A_116, %cond3A_117 : i32
    scf.if %cond3A_118 {
      %mul3A_203 = arith.constant 64000 : i32
      %mul3A_204 = arith.muli %arg0, %mul3A_203 : i32
      %dma_wait3A_205 = arith.constant 1 : i32
      %dma_wait3A_206 = arith.constant 0 : i32
      %dma_wait3A_207 = arith.constant 0 : i32
      %dma_wait3A_208 = tpu.memref_slice %arg12[%dma_wait3A_205, %dma_wait3A_206, %dma_wait3A_207] : memref<2x16x64000xf32, #tpu.memory_space<vmem>> -> memref<1x16x64000xf32, #tpu.memory_space<vmem>>
      %dma_wait3A_209 = tpu.memref_squeeze %dma_wait3A_208 : memref<1x16x64000xf32, #tpu.memory_space<vmem>> -> memref<16x64000xf32, #tpu.memory_space<vmem>>
      %dma_wait3A_210 = arith.constant 0 : i32
      %dma_wait3A_211 = tpu.memref_slice %arg4[%dma_wait3A_210, %mul3A_204] : memref<16x320000xf32, #tpu.memory_space<hbm>> -> memref<16x64000xf32, #tpu.memory_space<hbm>>
      tpu.wait_dma2 semaphore(%arg17 : memref<!tpu.dma_semaphore, #tpu.memory_space<semaphore_mem>>) src(%dma_wait3A_211 : memref<16x64000xf32, #tpu.memory_space<hbm>>) dst(%dma_wait3A_209 : memref<16x64000xf32, #tpu.memory_space<vmem>>)
      %get3A_212 = arith.constant 1 : index
      %get3A_213 = arith.constant 0 : index
      %get3A_214 = arith.constant 0 : index
      %get3A_215 = vector.load %arg12[%get3A_212, %get3A_213, %get3A_214] : memref<2x16x64000xf32, #tpu.memory_space<vmem>>, vector<1x16x64000xf32>
      %get3A_216 = vector.shape_cast %get3A_215 : vector<1x16x64000xf32> to vector<16x64000xf32>
      %dot_general3A_217 = arith.constant dense<0.000000e+00> : vector<1x64000xf32>
      %dot_general3A_218 = tpu.matmul %dot_general3A_76, %get3A_216, %dot_general3A_217 {dimension_numbers = #tpu.dot_dimension_numbers<[0], [0], [1], [1], [0, 1, 1, 1], [], []>, transpose_lhs_hint = false} : vector<16x1xf32>, vector<16x64000xf32>, vector<1x64000xf32> -> vector<1x64000xf32>
      %swap3A_219 = arith.constant 0 : index
      %swap3A_220 = arith.constant 0 : index
      %swap3A_221 = vector.load %arg14[%swap3A_219, %swap3A_220] : memref<1x64000xf32, #tpu.memory_space<vmem>>, vector<1x64000xf32>
      tpu.vector_store %arg14[%swap3A_219, %swap3A_220], %dot_general3A_218 {strides = array<i32>} : memref<1x64000xf32, #tpu.memory_space<vmem>>, vector<1x64000xf32>,
    } else {
    }
    %get3A_119 = arith.constant 0 : index
    %get3A_120 = arith.constant 0 : index
    %get3A_121 = vector.load %arg14[%get3A_119, %get3A_120] : memref<1x64000xf32, #tpu.memory_space<vmem>>, vector<1x64000xf32>
    %abs3A = math.absf %get3A_121 : vector<1x64000xf32>
    %reduce_max3A = vector.shape_cast %abs3A : vector<1x64000xf32> to vector<1x1x64000xf32>
    %reduce_max3A_122 = arith.constant dense<0xFF800000> : vector<1xf32>
    %reduce_max3A_123 = vector.multi_reduction <maximumf>, %reduce_max3A, %reduce_max3A_122 [1, 2] : vector<1x1x64000xf32> to vector<1xf32>
    %reduce_max3A_124 = vector.shape_cast %reduce_max3A_123 : vector<1xf32> to vector<1x1x1xf32>
    %reduce_max3A_125 = vector.extract %reduce_max3A_124[0, 0, 0] : f32 from vector<1x1x1xf32>
    %eq3A_126 = arith.constant 0 : i32
    %eq3A_127 = arith.cmpi eq, %arg0, %eq3A_126 : i32
    %convert_element_type3A_128 = arith.extui %eq3A_127 : i1 to i32
    %cond3A_129 = arith.constant 0 : i32
    %cond3A_130 = arith.cmpi ne, %convert_element_type3A_128, %cond3A_129 : i32
    scf.if %cond3A_130 {
      %swap3A_203 = arith.constant 0 : index
      %swap3A_204 = arith.constant 0 : index
      %swap3A_205 = memref.load %arg18[%swap3A_203, %swap3A_204] : memref<1x1xf32, #tpu.memory_space<smem>>
      memref.store %reduce_max3A_125, %arg18[%swap3A_203, %swap3A_204] : memref<1x1xf32, #tpu.memory_space<smem>>
    } else {
    }
    %gt3A_131 = arith.constant 0 : i32
    %gt3A_132 = arith.cmpi sgt, %arg0, %gt3A_131 : i32
    %convert_element_type3A_133 = arith.extui %gt3A_132 : i1 to i32
    %cond3A_134 = arith.constant 0 : i32
    %cond3A_135 = arith.cmpi ne, %convert_element_type3A_133, %cond3A_134 : i32
    scf.if %cond3A_135 {
      %get3A_203 = arith.constant 0 : index
      %get3A_204 = arith.constant 0 : index
      %get3A_205 = memref.load %arg18[%get3A_203, %get3A_204] : memref<1x1xf32, #tpu.memory_space<smem>>
      %max3A = arith.maximumf %get3A_205, %reduce_max3A_125 : f32
      %swap3A_206 = arith.constant 0 : index
      %swap3A_207 = arith.constant 0 : index
      %swap3A_208 = memref.load %arg18[%swap3A_206, %swap3A_207] : memref<1x1xf32, #tpu.memory_space<smem>>
      memref.store %max3A, %arg18[%swap3A_206, %swap3A_207] : memref<1x1xf32, #tpu.memory_space<smem>>
    } else {
    }
    %mul3A_136 = arith.constant 2048 : i32
    %mul3A_137 = arith.muli %arg0, %mul3A_136 : i32
    %mul3A_138 = arith.constant 2048 : i32
    %mul3A_139 = arith.muli %arg0, %mul3A_138 : i32
    %add3A_140 = arith.constant 10240 : i32
    %add3A_141 = arith.addi %add3A_140, %mul3A_139 : i32
    %mul3A_142 = arith.constant 64000 : i32
    %mul3A_143 = arith.muli %arg0, %mul3A_142 : i32
    %mul3A_144 = arith.constant 64000 : i32
    %mul3A_145 = arith.muli %arg0, %mul3A_144 : i32
    %mul3A_146 = arith.constant 64000 : i32
    %mul3A_147 = arith.muli %arg0, %mul3A_146 : i32
    %add3A_148 = arith.constant 320000 : i32
    %add3A_149 = arith.addi %add3A_148, %mul3A_147 : i32
    %dma_start3A = arith.constant 0 : i32
    %dma_start3A_150 = tpu.memref_slice %arg8[%mul3A_137] : memref<20480xf32, #tpu.memory_space<hbm>> -> memref<2048xf32, #tpu.memory_space<hbm>>
    %dma_start3A_151 = arith.constant 0 : i32
    %dma_start3A_152 = tpu.memref_slice %arg13[%dma_start3A, %dma_start3A_151] : memref<2x2048xf32, #tpu.memory_space<vmem>> -> memref<1x2048xf32, #tpu.memory_space<vmem>>
    %dma_start3A_153 = tpu.memref_squeeze %dma_start3A_152 : memref<1x2048xf32, #tpu.memory_space<vmem>> -> memref<2048xf32, #tpu.memory_space<vmem>>
    tpu.enqueue_dma source(%dma_start3A_153 : memref<2048xf32, #tpu.memory_space<vmem>>) target(%dma_start3A_150 : memref<2048xf32, #tpu.memory_space<hbm>>) target_semaphore(%arg15 : memref<!tpu.dma_semaphore, #tpu.memory_space<semaphore_mem>>)
    %dma_start3A_154 = arith.constant 1 : i32
    %dma_start3A_155 = tpu.memref_slice %arg8[%add3A_141] : memref<20480xf32, #tpu.memory_space<hbm>> -> memref<2048xf32, #tpu.memory_space<hbm>>
    %dma_start3A_156 = arith.constant 0 : i32
    %dma_start3A_157 = tpu.memref_slice %arg13[%dma_start3A_154, %dma_start3A_156] : memref<2x2048xf32, #tpu.memory_space<vmem>> -> memref<1x2048xf32, #tpu.memory_space<vmem>>
    %dma_start3A_158 = tpu.memref_squeeze %dma_start3A_157 : memref<1x2048xf32, #tpu.memory_space<vmem>> -> memref<2048xf32, #tpu.memory_space<vmem>>
    tpu.enqueue_dma source(%dma_start3A_158 : memref<2048xf32, #tpu.memory_space<vmem>>) target(%dma_start3A_155 : memref<2048xf32, #tpu.memory_space<hbm>>) target_semaphore(%arg15 : memref<!tpu.dma_semaphore, #tpu.memory_space<semaphore_mem>>)
    %dma_start3A_159 = arith.constant 0 : i32
    %dma_start3A_160 = tpu.memref_slice %arg9[%mul3A_143] : memref<320000xf32, #tpu.memory_space<hbm>> -> memref<64000xf32, #tpu.memory_space<hbm>>
    %dma_start3A_161 = arith.constant 0 : i32
    %dma_start3A_162 = tpu.memref_slice %arg14[%dma_start3A_159, %dma_start3A_161] : memref<1x64000xf32, #tpu.memory_space<vmem>> -> memref<1x64000xf32, #tpu.memory_space<vmem>>
    %dma_start3A_163 = tpu.memref_squeeze %dma_start3A_162 : memref<1x64000xf32, #tpu.memory_space<vmem>> -> memref<64000xf32, #tpu.memory_space<vmem>>
    tpu.enqueue_dma source(%dma_start3A_163 : memref<64000xf32, #tpu.memory_space<vmem>>) target(%dma_start3A_160 : memref<64000xf32, #tpu.memory_space<hbm>>) target_semaphore(%arg15 : memref<!tpu.dma_semaphore, #tpu.memory_space<semaphore_mem>>)
    %dma_start3A_164 = arith.constant 0 : i32
    %dma_start3A_165 = tpu.memref_slice %arg11[%mul3A_145] : memref<640000xi32, #tpu.memory_space<hbm>> -> memref<64000xi32, #tpu.memory_space<hbm>>
    %dma_start3A_166 = arith.constant 0 : i32
    %dma_start3A_167 = tpu.memref_slice %arg7[%dma_start3A_164, %dma_start3A_166] : memref<2x64000xi32, #tpu.memory_space<vmem>> -> memref<1x64000xi32, #tpu.memory_space<vmem>>
    %dma_start3A_168 = tpu.memref_squeeze %dma_start3A_167 : memref<1x64000xi32, #tpu.memory_space<vmem>> -> memref<64000xi32, #tpu.memory_space<vmem>>
    tpu.enqueue_dma source(%dma_start3A_168 : memref<64000xi32, #tpu.memory_space<vmem>>) target(%dma_start3A_165 : memref<64000xi32, #tpu.memory_space<hbm>>) target_semaphore(%arg15 : memref<!tpu.dma_semaphore, #tpu.memory_space<semaphore_mem>>)
    %dma_start3A_169 = arith.constant 1 : i32
    %dma_start3A_170 = tpu.memref_slice %arg11[%add3A_149] : memref<640000xi32, #tpu.memory_space<hbm>> -> memref<64000xi32, #tpu.memory_space<hbm>>
    %dma_start3A_171 = arith.constant 0 : i32
    %dma_start3A_172 = tpu.memref_slice %arg7[%dma_start3A_169, %dma_start3A_171] : memref<2x64000xi32, #tpu.memory_space<vmem>> -> memref<1x64000xi32, #tpu.memory_space<vmem>>
    %dma_start3A_173 = tpu.memref_squeeze %dma_start3A_172 : memref<1x64000xi32, #tpu.memory_space<vmem>> -> memref<64000xi32, #tpu.memory_space<vmem>>
    tpu.enqueue_dma source(%dma_start3A_173 : memref<64000xi32, #tpu.memory_space<vmem>>) target(%dma_start3A_170 : memref<64000xi32, #tpu.memory_space<hbm>>) target_semaphore(%arg15 : memref<!tpu.dma_semaphore, #tpu.memory_space<semaphore_mem>>)
    %dma_wait3A = arith.constant 0 : i32
    %dma_wait3A_174 = tpu.memref_slice %arg8[%mul3A_137] : memref<20480xf32, #tpu.memory_space<hbm>> -> memref<2048xf32, #tpu.memory_space<hbm>>
    %dma_wait3A_175 = arith.constant 0 : i32
    %dma_wait3A_176 = tpu.memref_slice %arg13[%dma_wait3A, %dma_wait3A_175] : memref<2x2048xf32, #tpu.memory_space<vmem>> -> memref<1x2048xf32, #tpu.memory_space<vmem>>
    %dma_wait3A_177 = tpu.memref_squeeze %dma_wait3A_176 : memref<1x2048xf32, #tpu.memory_space<vmem>> -> memref<2048xf32, #tpu.memory_space<vmem>>
    tpu.wait_dma2 semaphore(%arg15 : memref<!tpu.dma_semaphore, #tpu.memory_space<semaphore_mem>>) src(%dma_wait3A_177 : memref<2048xf32, #tpu.memory_space<vmem>>) dst(%dma_wait3A_174 : memref<2048xf32, #tpu.memory_space<hbm>>)
    %dma_wait3A_178 = arith.constant 1 : i32
    %dma_wait3A_179 = tpu.memref_slice %arg8[%add3A_141] : memref<20480xf32, #tpu.memory_space<hbm>> -> memref<2048xf32, #tpu.memory_space<hbm>>
    %dma_wait3A_180 = arith.constant 0 : i32
    %dma_wait3A_181 = tpu.memref_slice %arg13[%dma_wait3A_178, %dma_wait3A_180] : memref<2x2048xf32, #tpu.memory_space<vmem>> -> memref<1x2048xf32, #tpu.memory_space<vmem>>
    %dma_wait3A_182 = tpu.memref_squeeze %dma_wait3A_181 : memref<1x2048xf32, #tpu.memory_space<vmem>> -> memref<2048xf32, #tpu.memory_space<vmem>>
    tpu.wait_dma2 semaphore(%arg15 : memref<!tpu.dma_semaphore, #tpu.memory_space<semaphore_mem>>) src(%dma_wait3A_182 : memref<2048xf32, #tpu.memory_space<vmem>>) dst(%dma_wait3A_179 : memref<2048xf32, #tpu.memory_space<hbm>>)
    %dma_wait3A_183 = arith.constant 0 : i32
    %dma_wait3A_184 = tpu.memref_slice %arg9[%mul3A_143] : memref<320000xf32, #tpu.memory_space<hbm>> -> memref<64000xf32, #tpu.memory_space<hbm>>
    %dma_wait3A_185 = arith.constant 0 : i32
    %dma_wait3A_186 = tpu.memref_slice %arg14[%dma_wait3A_183, %dma_wait3A_185] : memref<1x64000xf32, #tpu.memory_space<vmem>> -> memref<1x64000xf32, #tpu.memory_space<vmem>>
    %dma_wait3A_187 = tpu.memref_squeeze %dma_wait3A_186 : memref<1x64000xf32, #tpu.memory_space<vmem>> -> memref<64000xf32, #tpu.memory_space<vmem>>
    tpu.wait_dma2 semaphore(%arg15 : memref<!tpu.dma_semaphore, #tpu.memory_space<semaphore_mem>>) src(%dma_wait3A_187 : memref<64000xf32, #tpu.memory_space<vmem>>) dst(%dma_wait3A_184 : memref<64000xf32, #tpu.memory_space<hbm>>)
    %dma_wait3A_188 = arith.constant 0 : i32
    %dma_wait3A_189 = tpu.memref_slice %arg11[%mul3A_145] : memref<640000xi32, #tpu.memory_space<hbm>> -> memref<64000xi32, #tpu.memory_space<hbm>>
    %dma_wait3A_190 = arith.constant 0 : i32
    %dma_wait3A_191 = tpu.memref_slice %arg7[%dma_wait3A_188, %dma_wait3A_190] : memref<2x64000xi32, #tpu.memory_space<vmem>> -> memref<1x64000xi32, #tpu.memory_space<vmem>>
    %dma_wait3A_192 = tpu.memref_squeeze %dma_wait3A_191 : memref<1x64000xi32, #tpu.memory_space<vmem>> -> memref<64000xi32, #tpu.memory_space<vmem>>
    tpu.wait_dma2 semaphore(%arg15 : memref<!tpu.dma_semaphore, #tpu.memory_space<semaphore_mem>>) src(%dma_wait3A_192 : memref<64000xi32, #tpu.memory_space<vmem>>) dst(%dma_wait3A_189 : memref<64000xi32, #tpu.memory_space<hbm>>)
    %dma_wait3A_193 = arith.constant 1 : i32
    %dma_wait3A_194 = tpu.memref_slice %arg11[%add3A_149] : memref<640000xi32, #tpu.memory_space<hbm>> -> memref<64000xi32, #tpu.memory_space<hbm>>
    %dma_wait3A_195 = arith.constant 0 : i32
    %dma_wait3A_196 = tpu.memref_slice %arg7[%dma_wait3A_193, %dma_wait3A_195] : memref<2x64000xi32, #tpu.memory_space<vmem>> -> memref<1x64000xi32, #tpu.memory_space<vmem>>
    %dma_wait3A_197 = tpu.memref_squeeze %dma_wait3A_196 : memref<1x64000xi32, #tpu.memory_space<vmem>> -> memref<64000xi32, #tpu.memory_space<vmem>>
    tpu.wait_dma2 semaphore(%arg15 : memref<!tpu.dma_semaphore, #tpu.memory_space<semaphore_mem>>) src(%dma_wait3A_197 : memref<64000xi32, #tpu.memory_space<vmem>>) dst(%dma_wait3A_194 : memref<64000xi32, #tpu.memory_space<hbm>>)
    %eq3A_198 = arith.constant 4 : i32
    %eq3A_199 = arith.cmpi eq, %arg0, %eq3A_198 : i32
    %convert_element_type3A_200 = arith.extui %eq3A_199 : i1 to i32
    %cond3A_201 = arith.constant 0 : i32
    %cond3A_202 = arith.cmpi ne, %convert_element_type3A_200, %cond3A_201 : i32
    scf.if %cond3A_202 {
      %get3A_203 = arith.constant 0 : index
      %get3A_204 = arith.constant 0 : index
      %get3A_205 = memref.load %arg18[%get3A_203, %get3A_204] : memref<1x1xf32, #tpu.memory_space<smem>>
      %broadcast_in_dim3A = vector.broadcast %get3A_205 : f32 to vector<1x128xf32>
      %swap3A_206 = arith.constant 0 : index
      %swap3A_207 = arith.constant 0 : index
      %swap3A_208 = vector.load %arg10[%swap3A_206, %swap3A_207] : memref<1x128xf32, #tpu.memory_space<vmem>>, vector<1x128xf32>
      tpu.vector_store %arg10[%swap3A_206, %swap3A_207], %broadcast_in_dim3A {strides = array<i32>} : memref<1x128xf32, #tpu.memory_space<vmem>>, vector<1x128xf32>,
    } else {
    }
    return
  }
  func.func @transform_0(%arg0: i32) -> (i32, i32) {
    %c0_i32 = arith.constant 0 : i32
    %c0_i32_0 = arith.constant 0 : i32
    return %arg0, %c0_i32 : i32, i32
  }
  func.func @transform_1(%arg0: i32) -> (i32, i32) {
    %c0_i32 = arith.constant 0 : i32
    %c0_i32_0 = arith.constant 0 : i32
    %c0_i32_1 = arith.constant 0 : i32
    return %c0_i32, %c0_i32_0 : i32, i32
  }
  func.func @transform_2(%arg0: i32) -> (i32, i32) {
    %c0_i32 = arith.constant 0 : i32
    %c0_i32_0 = arith.constant 0 : i32
    %c0_i32_1 = arith.constant 0 : i32
    return %c0_i32, %c0_i32_0 : i32, i32
  }
  func.func @transform_4(%arg0: i32) -> (i32, i32) {
    %c0_i32 = arith.constant 0 : i32
    %c0_i32_0 = arith.constant 0 : i32
    %c0_i32_1 = arith.constant 0 : i32
    return %c0_i32, %c0_i32_0 : i32, i32
  }
  func.func @transform_5(%arg0: i32) -> (i32, i32) {
    %c0_i32 = arith.constant 0 : i32
    %c0_i32_0 = arith.constant 0 : i32
    %c0_i32_1 = arith.constant 0 : i32
    return %c0_i32, %c0_i32_0 : i32, i32
  }
  func.func @transform_6(%arg0: i32) -> (i32, i32) {
    %c0_i32 = arith.constant 0 : i32
    %c0_i32_0 = arith.constant 0 : i32
    return %c0_i32, %arg0 : i32, i32
  }
  func.func @transform_9(%arg0: i32) -> (i32, i32) {
    %c0_i32 = arith.constant 0 : i32
    %c0_i32_0 = arith.constant 0 : i32
    %c0_i32_1 = arith.constant 0 : i32
    return %c0_i32, %c0_i32_0 : i32, i32
  }
}

</mosaic_0001>

<sc_bundles>
// kernel: kernel.5.cloned.1.call-start
scs
__scs_entry_jumppad:
0x0: {  	(pc) =	sbr.rel $0x88, $3  }
0x1: {  	(tag) =	ssettag $0x0;
	lr =	simm.s32 $0x1  }
0x2: {  	[smem:$0x3F92] =	sst lr;
	_ =	strace $0xD0000000  }
0x3: {  	_ = 	snop  }
0x4: {  	_ = 	snop  }
0x5: {  	_ = 	snop  }
0x6: {  	_ = 	snop  }
0x7: {  	_ = 	snop  }
__scs_overlays_trampoline_lowered:
0x8: {  	[smem:$0x3FA1] =	sst s0  }
0x9: {  	[smem:$0x3FA2] =	sst s1  }
0xa: {  	[smem:$0x3FA3] =	sst s2  }
0xb: {  	[smem:$0x3FA4] =	sst s3  }
0xc: {  	[smem:$0x3FA5] =	sst s4  }
0xd: {  	[smem:$0x3FA6] =	sst s5  }
0xe: {  	[smem:$0x3FA7] =	sst s6  }
0xf: {  	[smem:$0x3FA8] =	sst s7  }
0x10: {  	[smem:$0x3FA9] =	sst s8  }
0x11: {  	[smem:$0x3FAA] =	sst s9;
	s0 =	simm.s32 @!p0 $0x0  }
0x12: {  	s1 =	sld [smem:$0x3F90];
	s0 =	simm.s32 @p0 $0x1  }
0x13: {  	[smem:$0x3FAB] =	sst s0;
	s0 =	simm.s32 @!p1 $0x0  }
0x14: {  	s2 =	sld [smem:$0x3F8F];
	s0 =	simm.s32 @p1 $0x1  }
0x15: {  	[smem:$0x3FAC] =	sst s0;
	s0 =	simm.s32 @!p2 $0x0  }
0x16: {  	s3 =	sld [smem:$0x3FDB];
	s0 =	simm.s32 @p2 $0x1  }
0x17: {  	s4 =	simm.s32 $0x1BF5;
	[smem:$0x3FAE] =	sst s0  }
0x18: {  	s0 =	sld [smem:$0x3F91];
	_ =	swait.ge [sflag:s4], $0x0  }
0x19: {  	s7 =	sld [smem:$0x3F92]  }
0x1a: {  	s8 =	sadd.s32 $0xFFFFE003, lr  }
0x1b: {  	s9 =	sadd.s32 $0xFFFFFEF7, lr;
	s5 =	simm.s32 $0xFFFFFFFF;
	p2 =	slt.u32 s8, $0xFFFFF086  }
0x1c: {  	p1 =	slt.u32 s9, $0xF7A;
	s5 =	simm.s32 @!p2 $0x0  }
0x1d: {  	s5 =	simm.s32 @p1 $0x1;
	p0 =	seq.s32 s7, s2  }
0x1e: {  	s7 =	smul.u32 @!p0 $0xF7A, s2;
	p2 =	seq.s32 @!p0 s5, $0x0  }
0x1f: {  	s9 =	smul.u32 $0xF7A, s1;
	s8 =	simm.s32 @!p0 $0x1BF5;
	p2 =	por !p2, p0  }
0x20: {  	[sflag:s8] =	ssyncset.s32 @!p0 $0xFFFFF086;
	s6 =	sadd.s32 @!p0 s3, s7;
	s7 =	simm.s32 @!p0 $0x108  }
0x21: {  	s3 =	sadd.s32 s3, s9;
	s6 =	sadd.s32 @!p0 $0x88, s6;
	s7 =	simm.s32 @p2 $0x1082  }
0x22: {  	[simem:s7], [sflag:s8] =	dma.local @!p0 [hbm:s6], $0xF7A  }
0x23: {  	s9 =	sor.u32 $0xD0000000, s2;
	s6 =	simm.s32 $0x108;
	_ =	swait.ge @!p0 [sflag:s8], $0x0  }
0x24: {  	s3 =	sadd.s32 $0x88, s3;
	s6 =	simm.s32 @!p1 $0x1082;
	[sflag:s4] =	ssyncset.s32 $0xFFFFF086  }
0x25: {  	[simem:s6], [sflag:s4] =	dma.local [hbm:s3], $0xF7A  }
0x26: {  	[smem:$0x3F92] =	sst s1;
	(tag) =	ssettag s2;
	_ =	strace s9  }
0x27: {  	s1 =	sld [smem:$0x3FA2]  }
0x28: {  	s2 =	sld [smem:$0x3FA3]  }
0x29: {  	s4 =	sld [smem:$0x3FA5]  }
0x2a: {  	p0 =	seq.s32 s5, $0x0;
	s5 =	sld [smem:$0x3FA6]  }
0x2b: {  	s6 =	sld [smem:$0x3FA7]  }
0x2c: {  	s7 =	sld [smem:$0x3FA8]  }
0x2d: {  	s3 =	simm.s32 $0x108;
	s8 =	sld [smem:$0x3FA9]  }
0x2e: {  	s3 =	simm.s32 @!p0 $0x1082;
	s9 =	sld [smem:$0x3FAA]  }
0x2f: {  	lr =	sadd.s32 s0, s3;
	s0 =	sld [smem:$0x3FA1]  }
0x30: {  	s3 =	sld [smem:$0x3FA4]  }
0x31: {  	[smem:$0x3FAD] =	sst s10  }
0x32: {  	s10 =	sld [smem:$0x3FAB];
	_ =	sdelay $0x3  }
0x33: {  	p0 =	seq.s32 s10, $0x1;
	s10 =	sld [smem:$0x3FAD];
	_ =	sdelay $0x3  }
0x34: {  	[smem:$0x3FAD] =	sst s10  }
0x35: {  	s10 =	sld [smem:$0x3FAC];
	_ =	sdelay $0x3  }
0x36: {  	p1 =	seq.s32 s10, $0x1;
	s10 =	sld [smem:$0x3FAD];
	_ =	sdelay $0x3  }
0x37: {  	[smem:$0x3FAD] =	sst s10  }
0x38: {  	s10 =	sld [smem:$0x3FAE]  }
0x39: {  	_ = 	snop;
	(pc) =	sbr.ind lr, $3  }
0x3a: {  	_ = 	snop  }
0x3b: {  	_ = 	snop  }
0x3c: {  	p2 =	seq.s32 s10, $0x1;
	s10 =	sld [smem:$0x3FAD]  }
0x3d: {  	_ =	shalt  }
0x3e: {  	_ =	shalt  }
0x3f: {  	_ =	shalt  }
0x40: {  	_ =	shalt  }
0x41: {  	_ =	shalt  }
0x42: {  	_ =	shalt  }
0x43: {  	_ =	shalt  }
0x44: {  	_ =	shalt  }
0x45: {  	_ =	shalt  }
0x46: {  	_ =	shalt  }
0x47: {  	_ =	shalt  }
0x48: {  	_ =	shalt  }
0x49: {  	_ =	shalt  }
0x4a: {  	_ =	shalt  }
0x4b: {  	_ =	shalt  }
0x4c: {  	_ =	shalt  }
0x4d: {  	_ =	shalt  }
0x4e: {  	_ =	shalt  }
0x4f: {  	_ =	shalt  }
0x50: {  	_ =	shalt  }
0x51: {  	_ =	shalt  }
0x52: {  	_ =	shalt  }
0x53: {  	_ =	shalt  }
0x54: {  	_ =	shalt  }
0x55: {  	_ =	shalt  }
0x56: {  	_ =	shalt  }
0x57: {  	_ =	shalt  }
0x58: {  	_ =	shalt  }
0x59: {  	_ =	shalt  }
0x5a: {  	_ =	shalt  }
0x5b: {  	_ =	shalt  }
0x5c: {  	_ =	shalt  }
0x5d: {  	_ =	shalt  }
0x5e: {  	_ =	shalt  }
0x5f: {  	_ =	shalt  }
0x60: {  	_ =	shalt  }
0x61: {  	_ =	shalt  }
0x62: {  	_ =	shalt  }
0x63: {  	_ =	shalt  }
0x64: {  	_ =	shalt  }
0x65: {  	_ =	shalt  }
0x66: {  	_ =	shalt  }
0x67: {  	_ =	shalt  }
0x68: {  	_ =	shalt  }
0x69: {  	_ =	shalt  }
0x6a: {  	_ =	shalt  }
0x6b: {  	_ =	shalt  }
0x6c: {  	_ =	shalt  }
0x6d: {  	_ =	shalt  }
0x6e: {  	_ =	shalt  }
0x6f: {  	_ =	shalt  }
0x70: {  	_ =	shalt  }
0x71: {  	_ =	shalt  }
0x72: {  	_ =	shalt  }
0x73: {  	_ =	shalt  }
0x74: {  	_ =	shalt  }
0x75: {  	_ =	shalt  }
0x76: {  	_ =	shalt  }
0x77: {  	_ =	shalt  }
0x78: {  	_ =	shalt  }
0x79: {  	_ =	shalt  }
0x7a: {  	_ =	shalt  }
0x7b: {  	_ =	shalt  }
0x7c: {  	_ =	shalt  }
0x7d: {  	_ =	shalt  }
0x7e: {  	_ =	shalt  }
0x7f: {  	_ =	shalt  }
0x80: {  	_ =	shalt  }
0x81: {  	_ =	shalt  }
0x82: {  	_ =	shalt  }
0x83: {  	_ =	shalt  }
0x84: {  	_ =	shalt  }
0x85: {  	_ =	shalt  }
0x86: {  	_ =	shalt  }
0x87: {  	_ =	shalt  }
.Lfunc_end0:
.L_simem_size_0:
called_computation_lowered:
.L_overlay_start_0:
0x88: {  	s2 =	sld [smem:$0x3FD9]  }
0x89: {  	s3 =	sld [smem:$0x3FFE];
	_ =	sdelay $0x1  }
0x8a: {  	s1 =	srdreg.scid  }
0x8b: {  	s0 =	sand.u32 $0x1, s1  }
0x8c: {  	s17 =	sshll.u32 s0, $0xA;
	s2 =	sadd.s32 s3, s2  }
0x8d: {  	s2 =	sadd.s32 s2, s17  }
0x8e: {  	[smem:$0x3FB9] =	sst s2  }
0x8f: {  	_ = 	snop  }
0x90: {  	s2 =	sld [smem:$0x3FD0];
	(tm) =	ssettm $0x1  }
0x91: {  	s18 =	sld [smem:$0x3FFB];
	_ =	sdelay $0x3  }
0x92: {  	_ =	strace s18  }
0x93: {  	s3 =	sld [smem:$0x3FFC];
	_ =	sdelay $0x3  }
0x94: {  	_ =	strace s3  }
0x95: {  	s3 =	sld [smem:$0x3FFD];
	_ =	sdelay $0x3  }
0x96: {  	_ =	strace s3  }
0x97: {  	_ =	strace $0x8FFFFFFF  }
0x98: {  	s19 =	sld [smem:$0x3FDB];
	_ =	sdelay $0x1  }
0x99: {  	s4 =	simm.s32 $_scs_section_size  }
0x9a: {  	s5 =	simm.s32 $_size__tile_overlayer_lowered;
	s6 =	simm.s32 $_tile_overlayer_lowered  }
0x9b: {  	s22 =	simm.s32 $0x1BFF;
	s21 =	sshll.u32 s6, $0x1;
	s3 =	sadd.s32 s4, s19  }
0x9c: {  	s7 =	simm.s32 $0x0;
	s20 =	sshll.u32 s5, $0x1;
	s5 =	sadd.s32 s21, s3  }
0x9d: {  	[timem:s7], [sflag:s22] =	dma.local [hbm:s5], s20  }
0x9e: {  	_ =	swait.ge [sflag:s22], s20  }
0x9f: {  	s4 =	ssub.s32 $0x0, s20;
	[sflag:s22] =	ssyncset.done $0x0  }
0xa0: {  	[sflag:s22] =	ssyncadd.s32 s4;
	_ =	sdelay $0x1  }
0xa1: {  	s23 =	simm.s32 $0x1B8B  }
0xa2: {  	_ =	swait.ge [sflag:s23], $0x1  }
0xa3: {  	[sflag:s23] =	ssyncset.done $0x0  }
0xa4: {  	s25 =	simm.s32 $0x1B8E;
	s24 =	sld [smem:$0x3FFE];
	[sflag:s23] =	ssyncadd.s32 $0xFFFFFFFF  }
0xa5: {  	s26 =	simm.s32 $execute0_lowered;
	[smem:$0x3FD2] =	sst s25  }
0xa6: {  	s5 =	sshll.u32 s26, $0x1;
	_ =	strace $0x80000046;
	[dreg:$0x1] =	wrdreg $0xFFFFFFFF  }
0xa7: {  	s28 =	simm.s32 $_size_execute0_lowered;
	s3 =	sadd.s32 s3, s5;
	[dreg:$0x0] =	wrdreg $0x0  }
0xa8: {  	s5 =	sshll.u32 s28, $0x1;
	[dreg:$0x2] =	wrdreg s3  }
0xa9: {  	[dreg:$0x3] =	wrdreg s5  }
0xaa: {  	[dreg:$0x4] =	wrdreg $0xC0  }
0xab: {  	_ =	task [dreg:s7], $0x5FFFF  }
0xac: {  	[dreg:$0x1] =	wrdreg $0xFFFFFFFF  }
0xad: {  	[dreg:$0x0] =	wrdreg $0x60  }
0xae: {  	[dreg:$0x2] =	wrdreg s24  }
0xaf: {  	[dreg:$0x3] =	wrdreg s2  }
0xb0: {  	[dreg:$0x4] =	wrdreg $0x9  }
0xb1: {  	_ =	task.clear_ibuf [dreg:s7], $0x5FFFF;
	_ =	strace $0x90000046  }
0xb2: {  	s29 =	simm.s32 $0x9;
	_ =	strace $0x80000048  }
0xb3: {  	_ =	swait.ge [sflag:s29], $0x1  }
0xb4: {  	[sflag:s29] =	ssyncadd.s32 $0xFFFFFFFF  }
0xb5: {  	_ =	strace $0x90000048  }
0xb6: {  	_ =	sfence  }
0xb7: {  	s30 =	sld [smem:$0x0];
	_ =	sdelay $0x2  }
0xb8: {  	s31 =	sshll.u32 s1, $0xD;
	s1 =	sshrl.u32 s1, $0x2  }
0xb9: {  	s3 =	sand.u32 $0x4000, s31;
	s1 =	sadd.s32 s1, s30  }
0xba: {  	s0 =	sor.u32 s3, s0;
	s1 =	sshll.u32 s1, $0x11  }
0xbb: {  	s0 =	sor.u32 s1, s0  }
0xbc: {  	s0 =	sadd.s32 $0x8F2B, s0  }
0xbd: {  	[sflag:s0] =	ssyncadd.remote.s32 $0x1  }
0xbe: {  	_ =	sfence.sel $0xFFFF  }
0xbf: {  	[dreg:$0x0] =	wrdreg $0xFFFFFFFF;
	(pc) =	sbr.abs _section_cstart, $3  }
0xc0: {  	[dreg:$0x1] =	wrdreg $0xFFFFFFFF  }
0xc1: {  	_ =	task.clear_ibuf [dreg:s7], $0x2FFFF;
	_ =	strace $0x9FFFFFFF  }
0xc2: {  	(tm) =	ssettm $0x7FFFFFFF  }
0xc3: {  	_ =	shalt  }
tec
execute0_lowered:
.L_overlay_start_1:
0x0: {  	(tag) =	ssettag $0x1  }
0x1: {  	s0 =	srdreg.scid  }
0x2: {  	s2 =	stileid.u32;
	s1 =	rddreg [dreg:$0x0]  }
0x3: {  	s3 =	simm.s32 $0x0;
	s26 =	simm.s32 $0x7530;
	s25 =	simm.s32 $0x1  }
0x4: {  	s28 =	simm.s32 $0xC350;
	s29 =	simm.s32 $0x2;
	s31 =	simm.s32 $0xD2F0  }
0x5: {  	s23 =	simm.s32 $0x0;
	s0 =	sand.u32 $0x1, s0;
	s2 =	sshll.u32 s2, $0x1  }
0x6: {  	[smem:$0x7FF] =	sst s3;
	s8 =	sadd.s32 $0x20700, s1;
	s9 =	sadd.s32 $0x20800, s1  }
0x7: {  	s10 =	sadd.s32 $0x20900, s1;
	s11 =	sadd.s32 $0x20A00, s1;
	s12 =	sadd.s32 $0x20B00, s1  }
0x8: {  	s13 =	sadd.s32 $0x20C00, s1;
	s14 =	sadd.s32 $0x20D00, s1;
	s15 =	sadd.s32 $0x20E00, s1  }
0x9: {  	s16 =	sadd.s32 $0x20F00, s1;
	s2 =	sor.u32 s0, s2;
	s0 =	ssub.s32 $0x2, s0  }
0xa: {  	s4 =	smul.u32 $0x2710, s2;
	s2 =	sshll.u32 s2, $0x8;
	s5 =	sshrl.u32 s0, $0x1  }
0xb: {  	_ =	strace $0x80000047;
	s2 =	sadd.s32 s2, s1;
	s0 =	ssub.s32 s0, s5  }
0xc: {  	s4 =	sshrl.u32 s4, $0x3;
	s17 =	sadd.s32 $0x21000, s2;
	s18 =	sadd.s32 $0x23000, s2  }
0xd: {  	s19 =	sadd.s32 $0x25000, s2;
	s20 =	sadd.s32 $0x27000, s2;
	s21 =	sadd.s32 $0x29000, s2  }
0xe: {  	s22 =	smax.u32 s0, $0x1;
	s0 =	simm.s32 $0xDAC0;
	s2 =	simm.s32 $0xE290  }
0xf: {  	s7 =	sadd.s32 s4, s1;
	s4 =	sadd.s32 $0x20600, s1;
	s1 =	simm.s32 $0x9C40  }
0x10: {  	v0 =	vimm.f32 $0.0e+00;
	s5 =	sadd.s32 $0x2E00, s7;
	s6 =	sadd.s32 $0xCA40, s7;
	s7 =	sadd.s32 $0x16800, s7  }
.LBB2_1:
0x11: {  	[tilespmem:s3], [sflag:$0x1] =	stream.linear.gather [hbm4b:s5+s3], $0x2710, $0x38;
	[tilespmem:$0xEAE0] =	vst v63  }
0x12: {  	s24 =	simm.s32 $0x2710  }
0x13: {  	[tilespmem:s24], [sflag:$0x1] =	stream.linear.gather [hbm4b:s6+s3], $0x2710, $0x38;
	[tilespmem:$0xEAE0] =	vst v63  }
0x14: {  	s24 =	simm.s32 $0x4E20  }
0x15: {  	[tilespmem:s24], [sflag:$0x1] =	stream.linear.gather [hbm4b:s7+s3], $0x2710, $0x38;
	[tilespmem:$0xEAE0] =	vst v63  }
0x16: {  	s30 =	simm.s32 $0xEA60;
	s24 =	rddreg [dreg:$0x1]  }
0x17: {  	[tilespmem:s30], [sflag:$0x1] =	stream.linear.gather [hbm4b:s24+s3], $0x80, $0x38;
	[tilespmem:$0xEAE0] =	vst v63  }
0x18: {  	_ = 	snop  }
0x19: {  	[tilespmem:s26], [sflag:$0x1] =	stream.linear.gather [hbm4b:s4+s3], $0x7D0, $0x38;
	[tilespmem:$0xEAE0] =	vst v63  }
0x1a: {  	s24 =	simm.s32 $0x7D00  }
0x1b: {  	[tilespmem:s24], [sflag:$0x1] =	stream.linear.gather [hbm4b:s8+s3], $0x7D0, $0x38;
	[tilespmem:$0xEAE0] =	vst v63  }
0x1c: {  	s24 =	simm.s32 $0x84D0  }
0x1d: {  	[tilespmem:s24], [sflag:$0x1] =	stream.linear.gather [hbm4b:s9+s3], $0x7D0, $0x38;
	[tilespmem:$0xEAE0] =	vst v63  }
0x1e: {  	s24 =	simm.s32 $0x8CA0  }
0x1f: {  	[tilespmem:s24], [sflag:$0x1] =	stream.linear.gather [hbm4b:s10+s3], $0x7D0, $0x38;
	[tilespmem:$0xEAE0] =	vst v63  }
0x20: {  	s24 =	simm.s32 $0x9470  }
0x21: {  	[tilespmem:s24], [sflag:$0x1] =	stream.linear.gather [hbm4b:s11+s3], $0x7D0, $0x38;
	[tilespmem:$0xEAE0] =	vst v63  }
0x22: {  	_ = 	snop  }
0x23: {  	[tilespmem:s1], [sflag:$0x1] =	stream.linear.gather [hbm4b:s12+s3], $0x7D0, $0x38;
	[tilespmem:$0xEAE0] =	vst v63  }
0x24: {  	s24 =	simm.s32 $0xA410  }
0x25: {  	[tilespmem:s24], [sflag:$0x1] =	stream.linear.gather [hbm4b:s13+s3], $0x7D0, $0x38;
	[tilespmem:$0xEAE0] =	vst v63  }
0x26: {  	s24 =	simm.s32 $0xABE0  }
0x27: {  	[tilespmem:s24], [sflag:$0x1] =	stream.linear.gather [hbm4b:s14+s3], $0x7D0, $0x38;
	[tilespmem:$0xEAE0] =	vst v63  }
0x28: {  	s24 =	simm.s32 $0xB3B0  }
0x29: {  	[tilespmem:s24], [sflag:$0x1] =	stream.linear.gather [hbm4b:s15+s3], $0x7D0, $0x38;
	[tilespmem:$0xEAE0] =	vst v63  }
0x2a: {  	s24 =	simm.s32 $0xBB80  }
0x2b: {  	[tilespmem:s24], [sflag:$0x1] =	stream.linear.gather [hbm4b:s16+s3], $0x7D0, $0x38;
	[tilespmem:$0xEAE0] =	vst v63  }
0x2c: {  	s30 =	simm.s32 $0x0;
	s24 =	simm.s32 $0x40  }
.LBB2_2:
0x2d: {  	p0 =	sne.s32 s24, $0x9C00;
	[tilespmem:s30+$0xC350] =	vst v0;
	s30 =	smov.u32 s24;
	s24 =	sadd.s32 $0x40, s24  }
.Ltmp0:
0x2e: {  	(pc) =	sbr.rel @p0 .LBB2_2-.Ltmp0, $2  }
0x2f: {  	_ =	sdelay $0x2  }
0x30: {  	s30 =	sshra.s32 s30, $0x2  }
0x31: {  	[tilespmem:s30+$0xC350] =	vst v0  }
0x32: {  	_ =	swait.ge [sflag:s25], $0x2710  }
0x33: {  	[sflag:s25] =	ssyncset.done $0x0  }
0x34: {  	[sflag:s25] =	ssyncadd.s32 $0xFFFFD8F0  }
0x35: {  	_ =	swait.ge [sflag:s25], $0x2710  }
0x36: {  	[sflag:s25] =	ssyncset.done $0x0  }
0x37: {  	[sflag:s25] =	ssyncadd.s32 $0xFFFFD8F0  }
0x38: {  	_ =	swait.ge [sflag:s25], $0x2710  }
0x39: {  	[sflag:s25] =	ssyncset.done $0x0  }
0x3a: {  	[sflag:s25] =	ssyncadd.s32 $0xFFFFD8F0  }
0x3b: {  	_ =	swait.ge [sflag:s25], $0x80  }
0x3c: {  	[sflag:s25] =	ssyncset.done $0x0  }
0x3d: {  	[sflag:s25] =	ssyncadd.s32 $0xFFFFFF80  }
0x3e: {  	_ =	swait.ge [sflag:s25], $0x7D0  }
0x3f: {  	[sflag:s25] =	ssyncset.done $0x0  }
0x40: {  	[sflag:s25] =	ssyncadd.s32 $0xFFFFF830  }
0x41: {  	_ =	swait.ge [sflag:s25], $0x7D0  }
0x42: {  	[sflag:s25] =	ssyncset.done $0x0  }
0x43: {  	[sflag:s25] =	ssyncadd.s32 $0xFFFFF830  }
0x44: {  	_ =	swait.ge [sflag:s25], $0x7D0  }
0x45: {  	[sflag:s25] =	ssyncset.done $0x0  }
0x46: {  	[sflag:s25] =	ssyncadd.s32 $0xFFFFF830  }
0x47: {  	_ =	swait.ge [sflag:s25], $0x7D0  }
0x48: {  	[sflag:s25] =	ssyncset.done $0x0  }
0x49: {  	[sflag:s25] =	ssyncadd.s32 $0xFFFFF830  }
0x4a: {  	_ =	swait.ge [sflag:s25], $0x7D0  }
0x4b: {  	[sflag:s25] =	ssyncset.done $0x0  }
0x4c: {  	[sflag:s25] =	ssyncadd.s32 $0xFFFFF830  }
0x4d: {  	_ =	swait.ge [sflag:s25], $0x7D0  }
0x4e: {  	[sflag:s25] =	ssyncset.done $0x0  }
0x4f: {  	[sflag:s25] =	ssyncadd.s32 $0xFFFFF830  }
0x50: {  	_ =	swait.ge [sflag:s25], $0x7D0  }
0x51: {  	[sflag:s25] =	ssyncset.done $0x0  }
0x52: {  	[sflag:s25] =	ssyncadd.s32 $0xFFFFF830  }
0x53: {  	_ =	swait.ge [sflag:s25], $0x7D0  }
0x54: {  	[sflag:s25] =	ssyncset.done $0x0  }
0x55: {  	[sflag:s25] =	ssyncadd.s32 $0xFFFFF830  }
0x56: {  	_ =	swait.ge [sflag:s25], $0x7D0  }
0x57: {  	[sflag:s25] =	ssyncset.done $0x0  }
0x58: {  	[sflag:s25] =	ssyncadd.s32 $0xFFFFF830  }
0x59: {  	_ =	swait.ge [sflag:s25], $0x7D0  }
0x5a: {  	[sflag:s25] =	ssyncset.done $0x0  }
0x5b: {  	s24 =	simm.s32 $0x0;
	[sflag:s25] =	ssyncadd.s32 $0xFFFFF830  }
0x5c: {  	v2 =	vld [tilespmem:s24+$0x30]  }
0x5d: {  	v1 =	vld [tilespmem:s24+$0x40]  }
0x5e: {  	v3 =	vld [tilespmem:s24+$0x20]  }
0x5f: {  	v6 =	vld [tilespmem:s24+$0x2730]  }
0x60: {  	v7 =	vld [tilespmem:s24+$0x2720]  }
0x61: {  	v4 =	vld [tilespmem:s24+$0x10]  }
0x62: {  	v5 =	vld [tilespmem:s24+$0x0]  }
0x63: {  	v8 =	vld [tilespmem:s24+$0x2710]  }
0x64: {  	v9 =	vld [tilespmem:s24+$0x2750]  }
0x65: {  	v11 =	vld [tilespmem:s24+$0x2740]  }
0x66: {  	v10 =	vld.idx.msk [tilespmem:v1+s26+$0x0], $0xffff  }
0x67: {  	v12 =	vld.idx.msk [tilespmem:v2+s26+$0x0], $0xffff  }
0x68: {  	v13 =	vld.idx.msk [tilespmem:v3+s26+$0x0], $0xffff  }
0x69: {  	v7 =	vld.idx.msk [tilespmem:v7+s1+$0x0], $0xffff  }
0x6a: {  	v14 =	vld.idx.msk [tilespmem:v5+s26+$0x0], $0xffff  }
0x6b: {  	v8 =	vld.idx.msk [tilespmem:v8+s1+$0x0], $0xffff  }
0x6c: {  	v15 =	vld.idx.msk [tilespmem:v4+s26+$0x0], $0xffff  }
0x6d: {  	v6 =	vld.idx.msk [tilespmem:v6+s1+$0x0], $0xffff  }
0x6e: {  	v11 =	vld.idx.msk [tilespmem:v11+s1+$0x0], $0xffff  }
0x6f: {  	v9 =	vld.idx.msk [tilespmem:v9+s1+$0x0], $0xffff  }
0x70: {  	v8 =	vadd.f32 v8, v14  }
0x71: {  	v7 =	vadd.f32 v7, v15  }
0x72: {  	v13 =	vadd.f32 v6, v13;
	v6 =	vand.u32 $0x7FFFFFFF, v8  }
0x73: {  	v11 =	vadd.f32 v11, v12;
	v34 =	vand.u32 $0x7FFFFFFF, v7;
	v6 =	vsub.f32 $0.0e+00, v6  }
0x74: {  	v9 =	vadd.f32 v9, v10;
	v36 =	vand.u32 $0x7FFFFFFF, v13;
	v35 =	vsub.f32 $0.0e+00, v34  }
0x75: {  	v37 =	vand.u32 $0x7FFFFFFF, v11;
	v12 =	vsub.f32 $0.0e+00, v36;
	v6 =	vmul.f32 $1.442695020e+00, v6  }
0x76: {  	v38 =	vand.u32 $0x7FFFFFFF, v9;
	v14 =	vsub.f32 $0.0e+00, v37;
	v10 =	vmul.f32 $1.442695020e+00, v35  }
0x77: {  	v15 =	vsub.f32 $0.0e+00, v38;
	v12 =	vmul.f32 $1.442695020e+00, v12;
	(erf) = vpow2.f32 v6  }
0x78: {  	v6 =	vmul.f32 $1.442695020e+00, v14;
	(erf) = vpow2.f32 v10  }
0x79: {  	v39 =	vmul.f32 $1.442695020e+00, v15;
	(erf) = vpow2.f32 v12  }
0x7a: {  	(erf) = vpow2.f32 v6  }
0x7b: {  	(erf) = vpow2.f32 v39;
	_ =	sdelay $0x2  }
0x7c: {  	v6 =	vld [tilespmem:$0xEA60];
	_ =	sdelay $0x1  }
0x7d: {  	v40 =	vpop (erf)  }
0x7e: {  	v10 =	vadd.f32 $1.000000000e+00, v40;
	v41 =	vpop (erf)  }
0x7f: {  	v12 =	vadd.f32 $1.000000000e+00, v41;
	v42 =	vpop (erf)  }
0x80: {  	(xrf0) =	vmax.scan.msk.f32 $0xffff, v6;
	v6 =	vmul.f32 $4.705882070e-01, v10;
	v14 =	vadd.f32 $1.000000000e+00, v42;
	v43 =	vpop (erf)  }
0x81: {  	v16 =	vmul.f32 $4.705882070e-01, v12;
	v15 =	vadd.f32 $1.000000000e+00, v43;
	v17 =	vpop (erf)  }
0x82: {  	v18 =	vsub.f32 $1.411764740e+00, v6;
	v6 =	vmul.f32 $4.705882070e-01, v14;
	v17 =	vadd.f32 $1.000000000e+00, v17  }
0x83: {  	v16 =	vsub.f32 $1.411764740e+00, v16;
	v19 =	vmul.f32 $4.705882070e-01, v15  }
0x84: {  	v20 =	vmul.f32 v18, v10;
	v21 =	vsub.f32 $1.411764740e+00, v6;
	v6 =	vmul.f32 $4.705882070e-01, v17  }
0x85: {  	v22 =	vmul.f32 v16, v12;
	v19 =	vsub.f32 $1.411764740e+00, v19  }
0x86: {  	v20 =	vsub.f32 $2.000000000e+00, v20;
	v24 =	vmul.f32 v21, v14;
	v25 =	vsub.f32 $1.411764740e+00, v6  }
0x87: {  	vm0 =	vge.f32 v9, $0.0e+00;
	v22 =	vsub.f32 $2.000000000e+00, v22;
	v44 =	vmul.f32 v19, v15  }
0x88: {  	v18 =	vmul.f32 v20, v18;
	v45 =	vsub.f32 $2.000000000e+00, v24;
	v46 =	vmul.f32 v25, v17  }
0x89: {  	vm1 =	vge.f32 v11, $0.0e+00;
	v16 =	vmul.f32 v22, v16;
	v47 =	vsub.f32 $2.000000000e+00, v44  }
0x8a: {  	v48 =	vmul.f32 v18, v10;
	v49 =	vmul.f32 v45, v21;
	v50 =	vsub.f32 $2.000000000e+00, v46  }
0x8b: {  	vm2 =	vge.f32 v13, $0.0e+00;
	v12 =	vmul.f32 v16, v12;
	v19 =	vmul.f32 v47, v19  }
0x8c: {  	v9 =	vsub.f32 $2.000000000e+00, v48;
	v51 =	vmul.f32 v49, v14;
	v52 =	vmul.f32 v50, v25  }
0x8d: {  	vm3 =	vge.f32 v7, $0.0e+00;
	v12 =	vsub.f32 $2.000000000e+00, v12;
	v53 =	vmul.f32 v19, v15  }
0x8e: {  	v54 =	vld [tilespmem:s24+$0x4E20];
	v9 =	vmul.f32 v9, v18;
	v11 =	vsub.f32 $2.000000000e+00, v51;
	v17 =	vmul.f32 v52, v17  }
0x8f: {  	v7 =	vld [tilespmem:s24+$0x4E30];
	vm4 =	vge.f32 v8, $0.0e+00;
	v12 =	vmul.f32 v12, v16;
	v13 =	vsub.f32 $2.000000000e+00, v53  }
0x90: {  	v56 =	vld [tilespmem:s24+$0x4E40];
	v23, _, _ =	vpop (xrf0);
	v55 =	vsub.f32 $1.000000000e+00, v9;
	v10 =	vmul.f32 v11, v49;
	v17 =	vsub.f32 $2.000000000e+00, v17  }
0x91: {  	v57 =	vld [tilespmem:s24+$0x4E50];
	v6 =	vbroadcast v23, $0xF;
	v8 =	vsub.f32 $1.000000000e+00, v12;
	v13 =	vmul.f32 v13, v19  }
0x92: {  	v59 =	vld [tilespmem:s24+$0x4E60];
	v9 =	vsel vm4, v9, v55;
	v58 =	vsub.f32 $1.000000000e+00, v10;
	v14 =	vmul.f32 v17, v52  }
0x93: {  	v9 =	vmul.f32 v54, v9;
	v8 =	vsel vm3, v12, v8;
	v60 =	vsub.f32 $1.000000000e+00, v13  }
0x94: {  	v7 =	vmul.f32 v8, v7;
	v8 =	vsel vm2, v10, v58;
	v61 =	vsub.f32 $1.000000000e+00, v14  }
0x95: {  	v9 =	vsub.f32 v9, v6;
	v8 =	vmul.f32 v8, v56;
	v62 =	vsel vm1, v13, v60  }
0x96: {  	v7 =	vsub.f32 v7, v6;
	v11 =	vmul.f32 v62, v57;
	v10 =	vsel vm0, v14, v61  }
0x97: {  	v8 =	vsub.f32 v8, v6;
	v10 =	vmul.f32 v10, v59;
	v9 =	vmul.f32 $1.442695020e+00, v9  }
0x98: {  	v11 =	vsub.f32 v11, v6;
	v7 =	vmul.f32 $1.442695020e+00, v7  }
0x99: {  	v10 =	vsub.f32 v10, v6;
	v8 =	vmul.f32 $1.442695020e+00, v8;
	(erf) = vpow2.f32 v9  }
0x9a: {  	v63 =	vmul.f32 $1.442695020e+00, v11;
	(erf) = vpow2.f32 v7  }
0x9b: {  	v7 =	vmul.f32 $1.442695020e+00, v10;
	(erf) = vpow2.f32 v8  }
0x9c: {  	(erf) = vpow2.f32 v63  }
0x9d: {  	s24 =	simm.s32 $0x140;
	(erf) = vpow2.f32 v7  }
.LBB2_4:
0x9e: {  	_ =	sdelay $0x1  }
0x9f: {  	p0 =	sne.s32 s24, $0x9B00;
	s30 =	smov.u32 s24;
	s24 =	sadd.s32 $0x140, s24  }
0xa0: {  	_ = 	snop  }
0xa1: {  	v7 =	vpop (erf)  }
0xa2: {  	[tilespmem:v5+s28+$0x0] =	vst.idx.add.f32.msk $0xffff, v7;
	v5 =	vpop (erf)  }
0xa3: {  	[tilespmem:v4+s28+$0x0] =	vst.idx.add.f32.msk $0xffff, v5;
	v4 =	vpop (erf)  }
0xa4: {  	[tilespmem:v3+s28+$0x0] =	vst.idx.add.f32.msk $0xffff, v4;
	v3 =	vpop (erf)  }
0xa5: {  	[tilespmem:v2+s28+$0x0] =	vst.idx.add.f32.msk $0xffff, v3;
	v2 =	vpop (erf)  }
0xa6: {  	s30 =	sshra.s32 s30, $0x2;
	[tilespmem:v1+s28+$0x0] =	vst.idx.add.f32.msk $0xffff, v2  }
0xa7: {  	v2 =	vld [tilespmem:s30+$0x30]  }
0xa8: {  	v1 =	vld [tilespmem:s30+$0x40]  }
0xa9: {  	v3 =	vld [tilespmem:s30+$0x20]  }
0xaa: {  	v7 =	vld [tilespmem:s30+$0x2730]  }
0xab: {  	v8 =	vld [tilespmem:s30+$0x2720]  }
0xac: {  	v4 =	vld [tilespmem:s30+$0x10]  }
0xad: {  	v5 =	vld [tilespmem:s30+$0x0]  }
0xae: {  	v9 =	vld [tilespmem:s30+$0x2710]  }
0xaf: {  	v10 =	vld [tilespmem:s30+$0x2750]  }
0xb0: {  	v11 =	vld.idx.msk [tilespmem:v1+s26+$0x0], $0xffff  }
0xb1: {  	v12 =	vld [tilespmem:s30+$0x2740]  }
0xb2: {  	v13 =	vld.idx.msk [tilespmem:v2+s26+$0x0], $0xffff  }
0xb3: {  	v14 =	vld.idx.msk [tilespmem:v3+s26+$0x0], $0xffff  }
0xb4: {  	v8 =	vld.idx.msk [tilespmem:v8+s1+$0x0], $0xffff  }
0xb5: {  	v15 =	vld.idx.msk [tilespmem:v5+s26+$0x0], $0xffff  }
0xb6: {  	v9 =	vld.idx.msk [tilespmem:v9+s1+$0x0], $0xffff  }
0xb7: {  	v16 =	vld.idx.msk [tilespmem:v4+s26+$0x0], $0xffff  }
0xb8: {  	v7 =	vld.idx.msk [tilespmem:v7+s1+$0x0], $0xffff  }
0xb9: {  	v12 =	vld.idx.msk [tilespmem:v12+s1+$0x0], $0xffff  }
0xba: {  	v10 =	vld.idx.msk [tilespmem:v10+s1+$0x0], $0xffff;
	_ =	sdelay $0x1  }
0xbb: {  	v9 =	vadd.f32 v9, v15  }
0xbc: {  	v8 =	vadd.f32 v8, v16  }
0xbd: {  	v7 =	vadd.f32 v7, v14;
	v14 =	vand.u32 $0x7FFFFFFF, v9  }
0xbe: {  	v12 =	vadd.f32 v12, v13;
	v13 =	vsub.f32 $0.0e+00, v14;
	v14 =	vand.u32 $0x7FFFFFFF, v8  }
0xbf: {  	v10 =	vadd.f32 v10, v11;
	v11 =	vsub.f32 $0.0e+00, v14;
	v14 =	vand.u32 $0x7FFFFFFF, v7  }
0xc0: {  	v13 =	vmul.f32 $1.442695020e+00, v13;
	v14 =	vsub.f32 $0.0e+00, v14;
	v15 =	vand.u32 $0x7FFFFFFF, v12  }
0xc1: {  	v11 =	vmul.f32 $1.442695020e+00, v11;
	v15 =	vsub.f32 $0.0e+00, v15;
	v16 =	vand.u32 $0x7FFFFFFF, v10  }
0xc2: {  	v14 =	vmul.f32 $1.442695020e+00, v14;
	v16 =	vsub.f32 $0.0e+00, v16;
	(erf) = vpow2.f32 v13  }
0xc3: {  	v13 =	vmul.f32 $1.442695020e+00, v15;
	(erf) = vpow2.f32 v11  }
0xc4: {  	v11 =	vmul.f32 $1.442695020e+00, v16;
	(erf) = vpow2.f32 v14  }
0xc5: {  	(erf) = vpow2.f32 v13  }
0xc6: {  	(erf) = vpow2.f32 v11;
	_ =	sdelay $0x4  }
0xc7: {  	v11 =	vpop (erf)  }
0xc8: {  	v11 =	vadd.f32 $1.000000000e+00, v11;
	v13 =	vpop (erf)  }
0xc9: {  	v13 =	vadd.f32 $1.000000000e+00, v13;
	v14 =	vpop (erf)  }
0xca: {  	v15 =	vmul.f32 $4.705882070e-01, v11;
	v14 =	vadd.f32 $1.000000000e+00, v14;
	v16 =	vpop (erf)  }
0xcb: {  	v17 =	vmul.f32 $4.705882070e-01, v13;
	v16 =	vadd.f32 $1.000000000e+00, v16;
	v18 =	vpop (erf)  }
0xcc: {  	v15 =	vsub.f32 $1.411764740e+00, v15;
	v19 =	vmul.f32 $4.705882070e-01, v14;
	v18 =	vadd.f32 $1.000000000e+00, v18  }
0xcd: {  	v17 =	vsub.f32 $1.411764740e+00, v17;
	v20 =	vmul.f32 $4.705882070e-01, v16  }
0xce: {  	v21 =	vmul.f32 v15, v11;
	v19 =	vsub.f32 $1.411764740e+00, v19;
	v22 =	vmul.f32 $4.705882070e-01, v18  }
0xcf: {  	v23 =	vmul.f32 v17, v13;
	v20 =	vsub.f32 $1.411764740e+00, v20  }
0xd0: {  	v21 =	vsub.f32 $2.000000000e+00, v21;
	v24 =	vmul.f32 v19, v14;
	v22 =	vsub.f32 $1.411764740e+00, v22  }
0xd1: {  	v23 =	vsub.f32 $2.000000000e+00, v23;
	v25 =	vmul.f32 v20, v16  }
0xd2: {  	v15 =	vmul.f32 v21, v15;
	v21 =	vsub.f32 $2.000000000e+00, v24;
	v24 =	vmul.f32 v22, v18  }
0xd3: {  	vm0 =	vge.f32 v10, $0.0e+00;
	v17 =	vmul.f32 v23, v17;
	v23 =	vsub.f32 $2.000000000e+00, v25  }
0xd4: {  	v10 =	vmul.f32 v15, v11;
	v11 =	vmul.f32 v21, v19;
	v19 =	vsub.f32 $2.000000000e+00, v24  }
0xd5: {  	vm1 =	vge.f32 v12, $0.0e+00;
	v13 =	vmul.f32 v17, v13;
	v20 =	vmul.f32 v23, v20  }
0xd6: {  	v10 =	vsub.f32 $2.000000000e+00, v10;
	v12 =	vmul.f32 v11, v14;
	v14 =	vmul.f32 v19, v22  }
0xd7: {  	vm2 =	vge.f32 v7, $0.0e+00;
	v13 =	vsub.f32 $2.000000000e+00, v13;
	v7 =	vmul.f32 v20, v16  }
0xd8: {  	v10 =	vmul.f32 v10, v15;
	v15 =	vld [tilespmem:s30+$0x4E20];
	v12 =	vsub.f32 $2.000000000e+00, v12;
	v16 =	vmul.f32 v14, v18  }
0xd9: {  	vm3 =	vge.f32 v8, $0.0e+00;
	v13 =	vmul.f32 v13, v17;
	v8 =	vld [tilespmem:s30+$0x4E30];
	v7 =	vsub.f32 $2.000000000e+00, v7  }
0xda: {  	v17 =	vsub.f32 $1.000000000e+00, v10;
	v11 =	vmul.f32 v12, v11;
	v12 =	vld [tilespmem:s30+$0x4E40];
	v16 =	vsub.f32 $2.000000000e+00, v16  }
0xdb: {  	vm4 =	vge.f32 v9, $0.0e+00;
	v9 =	vsub.f32 $1.000000000e+00, v13;
	v7 =	vmul.f32 v7, v20;
	v18 =	vld [tilespmem:s30+$0x4E50]  }
0xdc: {  	v10 =	vsel vm4, v10, v17;
	v17 =	vsub.f32 $1.000000000e+00, v11;
	v14 =	vmul.f32 v16, v14;
	v16 =	vld [tilespmem:s30+$0x4E60]  }
0xdd: {  	v10 =	vmul.f32 v15, v10;
	v9 =	vsel vm3, v13, v9;
	v13 =	vsub.f32 $1.000000000e+00, v7  }
0xde: {  	v8 =	vmul.f32 v9, v8;
	v9 =	vsel vm2, v11, v17;
	v11 =	vsub.f32 $1.000000000e+00, v14  }
0xdf: {  	v10 =	vsub.f32 v10, v6;
	v9 =	vmul.f32 v9, v12;
	v7 =	vsel vm1, v7, v13  }
0xe0: {  	v8 =	vsub.f32 v8, v6;
	v7 =	vmul.f32 v7, v18;
	v11 =	vsel vm0, v14, v11  }
0xe1: {  	v9 =	vsub.f32 v9, v6;
	v11 =	vmul.f32 v11, v16;
	v10 =	vmul.f32 $1.442695020e+00, v10  }
0xe2: {  	v7 =	vsub.f32 v7, v6;
	v8 =	vmul.f32 $1.442695020e+00, v8  }
.Ltmp1:
0xe3: {  	v11 =	vsub.f32 v11, v6;
	v9 =	vmul.f32 $1.442695020e+00, v9;
	(erf) = vpow2.f32 v10;
	(pc) =	sbr.rel @p0 .LBB2_4-.Ltmp1, $4  }
0xe4: {  	v7 =	vmul.f32 $1.442695020e+00, v7;
	(erf) = vpow2.f32 v8  }
0xe5: {  	v8 =	vmul.f32 $1.442695020e+00, v11;
	(erf) = vpow2.f32 v9  }
0xe6: {  	(erf) = vpow2.f32 v7  }
0xe7: {  	(erf) = vpow2.f32 v8  }
0xe8: {  	_ =	sdelay $0x3  }
0xe9: {  	v6 =	vpop (erf)  }
0xea: {  	[tilespmem:v5+s28+$0x0] =	vst.idx.add.f32.msk $0xffff, v6;
	v62 =	vpop (erf)  }
0xeb: {  	[tilespmem:v4+s28+$0x0] =	vst.idx.add.f32.msk $0xffff, v62;
	v63 =	vpop (erf)  }
0xec: {  	[tilespmem:v3+s28+$0x0] =	vst.idx.add.f32.msk $0xffff, v63;
	v3 =	vpop (erf)  }
0xed: {  	[tilespmem:v2+s28+$0x0] =	vst.idx.add.f32.msk $0xffff, v3;
	v2 =	vpop (erf)  }
0xee: {  	[tilespmem:v1+s28+$0x0] =	vst.idx.add.f32.msk $0xffff, v2  }
0xef: {  	[hbm4b:s17+s3] =	stream.linear.scatter [tilespmem:s28], [sflag:$0x2], $0x7D0, $0x38;
	[tilespmem:$0xEAE0] =	vst v63  }
0xf0: {  	_ =	swait.ge [sflag:s29], $0x7D0  }
0xf1: {  	[sflag:s29] =	ssyncset.done $0x0  }
0xf2: {  	s24 =	simm.s32 $0xCB20;
	[sflag:s29] =	ssyncadd.s32 $0xFFFFF830  }
0xf3: {  	[hbm4b:s18+s3] =	stream.linear.scatter [tilespmem:s24], [sflag:$0x2], $0x7D0, $0x38;
	[tilespmem:$0xEAE0] =	vst v63  }
0xf4: {  	_ =	swait.ge [sflag:s29], $0x7D0  }
0xf5: {  	[sflag:s29] =	ssyncset.done $0x0  }
0xf6: {  	[sflag:s29] =	ssyncadd.s32 $0xFFFFF830  }
0xf7: {  	[hbm4b:s19+s3] =	stream.linear.scatter [tilespmem:s31], [sflag:$0x2], $0x7D0, $0x38;
	[tilespmem:$0xEAE0] =	vst v63  }
0xf8: {  	_ =	swait.ge [sflag:s29], $0x7D0  }
0xf9: {  	[sflag:s29] =	ssyncset.done $0x0  }
0xfa: {  	[sflag:s29] =	ssyncadd.s32 $0xFFFFF830  }
0xfb: {  	[hbm4b:s20+s3] =	stream.linear.scatter [tilespmem:s0], [sflag:$0x2], $0x7D0, $0x38;
	[tilespmem:$0xEAE0] =	vst v63  }
0xfc: {  	s23 =	sadd.s32 $0x1, s23;
	_ =	swait.ge [sflag:s29], $0x7D0  }
0xfd: {  	p0 =	sne.s32 s23, s22;
	[sflag:s29] =	ssyncset.done $0x0  }
.Ltmp2:
0xfe: {  	[sflag:s29] =	ssyncadd.s32 $0xFFFFF830;
	(pc) =	sbr.rel @p0 .LBB2_1-.Ltmp2, $4  }
0xff: {  	[hbm4b:s21+s3] =	stream.linear.scatter [tilespmem:s2], [sflag:$0x2], $0x7D0, $0x38;
	[tilespmem:$0xEAE0] =	vst v63  }
0x100: {  	_ =	swait.ge [sflag:s29], $0x7D0  }
0x101: {  	[sflag:s29] =	ssyncset.done $0x0  }
0x102: {  	[sflag:s29] =	ssyncadd.s32 $0xFFFFF830  }
0x103: {  	_ =	sfence.sel $0x180000  }
0x104: {  	[bflag:$0x0] =	sbarrier.arrive $0xFFFF  }
0x105: {  	_ =	strace $0x90000047  }
0x106: {  	s0 =	stileid.u32;
	[bflag:$0x2] =	sbarrier.arrive $0xFFFF  }
0x107: {  	p0 =	sne.s32 s0, $0x0;
	s0 =	rddreg [dreg:$0x2]  }
0x108: {  	s0 =	sadd.s32 @!p0 $0x100000, s0  }
0x109: {  	[sflag:s0] =	ssyncadd.tile.s32 @!p0 $0x1;
	_ =	shalt  }
.Lfunc_end2:
_tile_overlayer_lowered:
.L_overlay_start_2:
0x10a: {  	(tag) =	ssettag $0x2  }
0x10b: {  	s0 =	rddreg [dreg:$0x0];
	s2 =	stileid.u32  }
0x10c: {  	s1 =	rddreg [dreg:$0x1];
	p0 =	sne.s32 s2, $0x0  }
0x10d: {  	s3 =	rddreg [dreg:$0x2];
	[bflag:$0x3] =	sbarrier.arrive $0xFFFF;
	s2 =	simm.s32 @!p0 $0x1C02  }
0x10e: {  	[timem:s3], [sflag:s2] =	dma.local @!p0 [hbm:s0], s1  }
0x10f: {  	s0 =	simm.s32 @!p0 $0x2  }
0x110: {  	_ =	swait.ge @!p0 [sflag:s0], s1  }
0x111: {  	s1 =	ssub.s32 @!p0 $0x0, s1;
	[sflag:s0] =	ssyncset.done @!p0 $0x0  }
0x112: {  	[sflag:s0] =	ssyncadd.s32 @!p0 s1  }
0x113: {  	[bflag:$0x3] =	sbarrier.arrive $0xFFFF  }
0x114: {  	_ =	shalt  }

</sc_bundles>
